<compile_context>
chip_gen: v7x
topology: tpu7x:2x2x1
jax: 0.10.2.dev20260603
libtpu: 0.0.44.dev20260713+nightly
codegen_flags: <defaults>
</compile_context>

<pallas_src>
import functools

import jax
import jax.numpy as jnp
from jax import lax
from jax.experimental import pallas as pl
from jax.experimental.pallas import tpu as pltpu
from jax.experimental.pallas import tpu_sc as plsc

COULOMB = -231000.0
N = 4096
T = 118
TP = 128
WPAD = 7040
MAXROW = 117 * 118 // 2
NS = 16
NB = 8
CHUNK = N // NS


def _pair_sum_body(ai_hbm, w_hbm, pall_hbm,
                   ai_v, h16_v, hist_v, w_v, hall_v, counts_v, acc_v,
                   shist_s, wsem):
    sid = lax.axis_index("s")
    zero16 = jnp.zeros((16,), jnp.float32)
    lane = lax.iota(jnp.int32, 16)

    @pl.when(sid < NB)
    def _prefetch_w():
        pltpu.async_copy(w_hbm, w_v, wsem)

    for k in range(NS * TP // 16):
        h16_v[pl.ds(16 * k, 16)] = zero16
    pltpu.sync_copy(ai_hbm.at[pl.ds(sid * CHUNK, CHUNK)], ai_v)
    ones = jnp.ones((16,), jnp.float32)
    lane_base = lane * TP
    for k in range(CHUNK // 16):
        idx = ai_v[pl.ds(16 * k, 16)]
        plsc.addupdate_scatter(h16_v, [lane_base + idx], ones)
    for c in range(TP // 16):
        acc = zero16
        for r in range(NS):
            acc = acc + h16_v[pl.ds(r * TP + 16 * c, 16)]
        hist_v[pl.ds(16 * c, 16)] = acc
    pltpu.sync_copy(hist_v, shist_s.at[sid])
    plsc.subcore_barrier()

    @pl.when(sid < NB)
    def _contract():
        pltpu.make_async_copy(w_hbm, w_v, wsem).wait()
        pltpu.sync_copy(shist_s, hall_v)
        for c in range(TP // 16):
            acc = zero16
            for r in range(NS):
                acc = acc + hall_v[r, pl.ds(16 * c, 16)]
            counts_v[pl.ds(16 * c, 16)] = acc
        t = 16 * sid + lane
        s_vec = lax.shift_right_logical(t * (t + 1), 1)
        s_vec = jnp.minimum(s_vec, MAXROW)

        def body(tj, acc):
            wv = plsc.load_gather(w_v, [s_vec + tj])
            cj = plsc.load_gather(counts_v, [jnp.zeros((16,), jnp.int32) + tj])
            return acc + wv * cj

        acc = lax.fori_loop(0, T, body, zero16)
        cblk = plsc.load_gather(counts_v, [t])
        acc_v[...] = acc * cblk
        pltpu.sync_copy(acc_v, pall_hbm.at[sid])


_pair_sum_call = functools.partial(
    pl.kernel,
    out_type=jax.ShapeDtypeStruct((NB, 16), jnp.float32),
    mesh=plsc.VectorSubcoreMesh(
        core_axis_name="c", subcore_axis_name="s", num_cores=1),
    scratch_types=[
        pltpu.VMEM((CHUNK,), jnp.int32),
        pltpu.VMEM((NS * TP,), jnp.float32),
        pltpu.VMEM((TP,), jnp.float32),
        pltpu.VMEM((WPAD,), jnp.float32),
        pltpu.VMEM((NS, TP), jnp.float32),
        pltpu.VMEM((TP,), jnp.float32),
        pltpu.VMEM((16,), jnp.float32),
        pltpu.VMEM_SHARED((NS, TP), jnp.float32),
        pltpu.SemaphoreType.DMA,
    ],
    compiler_params=pltpu.CompilerParams(needs_layout_passes=False),
)(_pair_sum_body)


def _combine_kernel(coords_ref, pall_ref, bias_ref, out_ref):
    c = coords_ref[...]
    s2 = jnp.sum(c * c)
    cs = jnp.sum(c, axis=0, keepdims=True)
    d = jnp.sqrt(2.0 * N * s2 - 2.0 * jnp.sum(cs * cs))
    recip = jnp.nan_to_num(1.0 / d, nan=0.0)
    ps = jnp.sum(pall_ref[...])
    out_ref[...] = COULOMB * ps * recip + bias_ref[...]


def kernel(coordinates, atom_ix, weights, bias):
    ai = atom_ix.astype(jnp.int32)
    wp = jnp.zeros((WPAD,), jnp.float32).at[: weights.shape[0]].set(weights)
    pall = _pair_sum_call(ai, wp)
    out = pl.pallas_call(
        _combine_kernel,
        out_shape=jax.ShapeDtypeStruct((1, 1), jnp.float32),
    )(coordinates, pall, bias.reshape(1, 1))
    return out.reshape(1)

# --- scband reference (transcript-rebuilt; emitter-appended) ---
"""Pipeline reference for scband-simple-energy-model-29867202576942 (READ-ONLY COPY).

The authoritative reference and input builder live on the scoring server;
editing this copy changes nothing except your own understanding.
"""

import jax, jax.numpy as jnp
import numpy as np

COULOMB_CONSTANT = -231000.0
N_ATOMS = 4096
MAX_ELEMENT = 118


def setup_inputs(seed: int = 0) -> dict:
    key = jax.random.key(seed)
    k1, k2, k3, k4 = jax.random.split(key, 4)
    coordinates = jax.random.normal(k1, (N_ATOMS, 3), dtype=jnp.float32)
    atom_ix = jax.random.randint(k2, (N_ATOMS,), 0, MAX_ELEMENT, dtype=jnp.int64) if jax.config.jax_enable_x64 else jax.random.randint(k2, (N_ATOMS,), 0, MAX_ELEMENT, dtype=jnp.int32)
    weights = jax.random.normal(k3, (MAX_ELEMENT * (MAX_ELEMENT + 1) // 2,), dtype=jnp.float32)
    bias = jax.random.normal(k4, (1,), dtype=jnp.float32)
    return {"coordinates": coordinates, "atom_ix": atom_ix, "weights": weights, "bias": bias}


def reference(coordinates, atom_ix, weights, bias):
    # torch.norm with no dim -> scalar Frobenius norm of the full [N, N, 3] diff tensor
    diff = coordinates[None, :, :] - coordinates[:, None, :]
    d = jnp.sqrt(jnp.sum(diff * diff))
    reciprocal_d = jnp.nan_to_num(1.0 / d, nan=0.0)
    ai = atom_ix.astype(jnp.int32)
    pairwise_atom_ix = ai[:, None] * (ai[:, None] + 1) // 2 + ai[None, :]
    atom_weights = jnp.take(weights, pairwise_atom_ix, axis=0)
    return COULOMB_CONSTANT * (atom_weights * reciprocal_d).sum() + bias

if __name__ == "__main__":
    import jax
    _d = setup_inputs()
    print(jax.jit(kernel)(*tuple(_d.values())))

</pallas_src>

<mosaic_0001>
#map = affine_map<(d0, d1) -> (0)>
#map1 = affine_map<(d0, d1) -> (0, 0)>
module attributes {stable_mosaic.version = 14 : i64} {
  func.func @_pair_sum_body(%arg0: i32, %arg1: i32, %arg2: memref<4096xi32, #tpu.memory_space<hbm>>, %arg3: memref<7040xf32, #tpu.memory_space<hbm>>, %arg4: memref<8x16xf32, #tpu.memory_space<hbm>>, %arg5: memref<256xi32, #tpu.memory_space<vmem>>, %arg6: memref<2048xf32, #tpu.memory_space<vmem>>, %arg7: memref<128xf32, #tpu.memory_space<vmem>>, %arg8: memref<7040xf32, #tpu.memory_space<vmem>>, %arg9: memref<16x128xf32, #tpu.memory_space<vmem>>, %arg10: memref<128xf32, #tpu.memory_space<vmem>>, %arg11: memref<16xf32, #tpu.memory_space<vmem>>, %arg12: memref<16x128xf32, #tpu.memory_space<vmem_shared>>, %arg13: memref<!tpu.dma_semaphore, #tpu.memory_space<semaphore_mem>>) attributes {dimension_semantics = [#tpu.dimension_semantics<core_parallel>, #tpu.dimension_semantics<subcore_parallel>], iteration_bounds = array<i64: 1, 16>, scalar_prefetch = 0 : i64, scratch_operands = 9 : i64, tpu.core_type = #tpu.core_type<sc_vector_subcore>, window_params = [{transform_indices = #map}, {transform_indices = #map}, {transform_indices = #map1}]} {
    %broadcast_in_dim3A = arith.constant 0.000000e+00 : f32
    %broadcast_in_dim3A_0 = vector.broadcast %broadcast_in_dim3A : f32 to vector<16xf32>
    %iota3A = tpu.iota {dimensions = array<i32: 0>} : vector<16xi32>
    %lt3A = arith.constant 8 : i32
    %lt3A_1 = arith.cmpi slt, %arg1, %lt3A : i32
    %convert_element_type3A = arith.extui %lt3A_1 : i1 to i32
    %cond3A = arith.constant 0 : i32
    %cond3A_2 = arith.cmpi ne, %convert_element_type3A, %cond3A : i32
    scf.if %cond3A_2 {
      tpu.enqueue_dma source(%arg3 : memref<7040xf32, #tpu.memory_space<hbm>>) target(%arg8 : memref<7040xf32, #tpu.memory_space<vmem>>) target_semaphore(%arg13 : memref<!tpu.dma_semaphore, #tpu.memory_space<semaphore_mem>>)
    } else {
    }
    %swap3A = arith.constant 0 : index
    %swap3A_3 = tpu.vector_load %arg6[%swap3A] {strides = array<i32>} : memref<2048xf32, #tpu.memory_space<vmem>>, vector<16xf32>,
    tpu.vector_store %arg6[%swap3A], %broadcast_in_dim3A_0 {strides = array<i32>} : memref<2048xf32, #tpu.memory_space<vmem>>, vector<16xf32>,
    %swap3A_4 = arith.constant 16 : index
    %swap3A_5 = tpu.vector_load %arg6[%swap3A_4] {strides = array<i32>} : memref<2048xf32, #tpu.memory_space<vmem>>, vector<16xf32>,
    tpu.vector_store %arg6[%swap3A_4], %broadcast_in_dim3A_0 {strides = array<i32>} : memref<2048xf32, #tpu.memory_space<vmem>>, vector<16xf32>,
    %swap3A_6 = arith.constant 32 : index
    %swap3A_7 = tpu.vector_load %arg6[%swap3A_6] {strides = array<i32>} : memref<2048xf32, #tpu.memory_space<vmem>>, vector<16xf32>,
    tpu.vector_store %arg6[%swap3A_6], %broadcast_in_dim3A_0 {strides = array<i32>} : memref<2048xf32, #tpu.memory_space<vmem>>, vector<16xf32>,
    %swap3A_8 = arith.constant 48 : index
    %swap3A_9 = tpu.vector_load %arg6[%swap3A_8] {strides = array<i32>} : memref<2048xf32, #tpu.memory_space<vmem>>, vector<16xf32>,
    tpu.vector_store %arg6[%swap3A_8], %broadcast_in_dim3A_0 {strides = array<i32>} : memref<2048xf32, #tpu.memory_space<vmem>>, vector<16xf32>,
    %swap3A_10 = arith.constant 64 : index
    %swap3A_11 = tpu.vector_load %arg6[%swap3A_10] {strides = array<i32>} : memref<2048xf32, #tpu.memory_space<vmem>>, vector<16xf32>,
    tpu.vector_store %arg6[%swap3A_10], %broadcast_in_dim3A_0 {strides = array<i32>} : memref<2048xf32, #tpu.memory_space<vmem>>, vector<16xf32>,
    %swap3A_12 = arith.constant 80 : index
    %swap3A_13 = tpu.vector_load %arg6[%swap3A_12] {strides = array<i32>} : memref<2048xf32, #tpu.memory_space<vmem>>, vector<16xf32>,
    tpu.vector_store %arg6[%swap3A_12], %broadcast_in_dim3A_0 {strides = array<i32>} : memref<2048xf32, #tpu.memory_space<vmem>>, vector<16xf32>,
    %swap3A_14 = arith.constant 96 : index
    %swap3A_15 = tpu.vector_load %arg6[%swap3A_14] {strides = array<i32>} : memref<2048xf32, #tpu.memory_space<vmem>>, vector<16xf32>,
    tpu.vector_store %arg6[%swap3A_14], %broadcast_in_dim3A_0 {strides = array<i32>} : memref<2048xf32, #tpu.memory_space<vmem>>, vector<16xf32>,
    %swap3A_16 = arith.constant 112 : index
    %swap3A_17 = tpu.vector_load %arg6[%swap3A_16] {strides = array<i32>} : memref<2048xf32, #tpu.memory_space<vmem>>, vector<16xf32>,
    tpu.vector_store %arg6[%swap3A_16], %broadcast_in_dim3A_0 {strides = array<i32>} : memref<2048xf32, #tpu.memory_space<vmem>>, vector<16xf32>,
    %swap3A_18 = arith.constant 128 : index
    %swap3A_19 = tpu.vector_load %arg6[%swap3A_18] {strides = array<i32>} : memref<2048xf32, #tpu.memory_space<vmem>>, vector<16xf32>,
    tpu.vector_store %arg6[%swap3A_18], %broadcast_in_dim3A_0 {strides = array<i32>} : memref<2048xf32, #tpu.memory_space<vmem>>, vector<16xf32>,
    %swap3A_20 = arith.constant 144 : index
    %swap3A_21 = tpu.vector_load %arg6[%swap3A_20] {strides = array<i32>} : memref<2048xf32, #tpu.memory_space<vmem>>, vector<16xf32>,
    tpu.vector_store %arg6[%swap3A_20], %broadcast_in_dim3A_0 {strides = array<i32>} : memref<2048xf32, #tpu.memory_space<vmem>>, vector<16xf32>,
    %swap3A_22 = arith.constant 160 : index
    %swap3A_23 = tpu.vector_load %arg6[%swap3A_22] {strides = array<i32>} : memref<2048xf32, #tpu.memory_space<vmem>>, vector<16xf32>,
    tpu.vector_store %arg6[%swap3A_22], %broadcast_in_dim3A_0 {strides = array<i32>} : memref<2048xf32, #tpu.memory_space<vmem>>, vector<16xf32>,
    %swap3A_24 = arith.constant 176 : index
    %swap3A_25 = tpu.vector_load %arg6[%swap3A_24] {strides = array<i32>} : memref<2048xf32, #tpu.memory_space<vmem>>, vector<16xf32>,
    tpu.vector_store %arg6[%swap3A_24], %broadcast_in_dim3A_0 {strides = array<i32>} : memref<2048xf32, #tpu.memory_space<vmem>>, vector<16xf32>,
    %swap3A_26 = arith.constant 192 : index
    %swap3A_27 = tpu.vector_load %arg6[%swap3A_26] {strides = array<i32>} : memref<2048xf32, #tpu.memory_space<vmem>>, vector<16xf32>,
    tpu.vector_store %arg6[%swap3A_26], %broadcast_in_dim3A_0 {strides = array<i32>} : memref<2048xf32, #tpu.memory_space<vmem>>, vector<16xf32>,
    %swap3A_28 = arith.constant 208 : index
    %swap3A_29 = tpu.vector_load %arg6[%swap3A_28] {strides = array<i32>} : memref<2048xf32, #tpu.memory_space<vmem>>, vector<16xf32>,
    tpu.vector_store %arg6[%swap3A_28], %broadcast_in_dim3A_0 {strides = array<i32>} : memref<2048xf32, #tpu.memory_space<vmem>>, vector<16xf32>,
    %swap3A_30 = arith.constant 224 : index
    %swap3A_31 = tpu.vector_load %arg6[%swap3A_30] {strides = array<i32>} : memref<2048xf32, #tpu.memory_space<vmem>>, vector<16xf32>,
    tpu.vector_store %arg6[%swap3A_30], %broadcast_in_dim3A_0 {strides = array<i32>} : memref<2048xf32, #tpu.memory_space<vmem>>, vector<16xf32>,
    %swap3A_32 = arith.constant 240 : index
    %swap3A_33 = tpu.vector_load %arg6[%swap3A_32] {strides = array<i32>} : memref<2048xf32, #tpu.memory_space<vmem>>, vector<16xf32>,
    tpu.vector_store %arg6[%swap3A_32], %broadcast_in_dim3A_0 {strides = array<i32>} : memref<2048xf32, #tpu.memory_space<vmem>>, vector<16xf32>,
    %swap3A_34 = arith.constant 256 : index
    %swap3A_35 = tpu.vector_load %arg6[%swap3A_34] {strides = array<i32>} : memref<2048xf32, #tpu.memory_space<vmem>>, vector<16xf32>,
    tpu.vector_store %arg6[%swap3A_34], %broadcast_in_dim3A_0 {strides = array<i32>} : memref<2048xf32, #tpu.memory_space<vmem>>, vector<16xf32>,
    %swap3A_36 = arith.constant 272 : index
    %swap3A_37 = tpu.vector_load %arg6[%swap3A_36] {strides = array<i32>} : memref<2048xf32, #tpu.memory_space<vmem>>, vector<16xf32>,
    tpu.vector_store %arg6[%swap3A_36], %broadcast_in_dim3A_0 {strides = array<i32>} : memref<2048xf32, #tpu.memory_space<vmem>>, vector<16xf32>,
    %swap3A_38 = arith.constant 288 : index
    %swap3A_39 = tpu.vector_load %arg6[%swap3A_38] {strides = array<i32>} : memref<2048xf32, #tpu.memory_space<vmem>>, vector<16xf32>,
    tpu.vector_store %arg6[%swap3A_38], %broadcast_in_dim3A_0 {strides = array<i32>} : memref<2048xf32, #tpu.memory_space<vmem>>, vector<16xf32>,
    %swap3A_40 = arith.constant 304 : index
    %swap3A_41 = tpu.vector_load %arg6[%swap3A_40] {strides = array<i32>} : memref<2048xf32, #tpu.memory_space<vmem>>, vector<16xf32>,
    tpu.vector_store %arg6[%swap3A_40], %broadcast_in_dim3A_0 {strides = array<i32>} : memref<2048xf32, #tpu.memory_space<vmem>>, vector<16xf32>,
    %swap3A_42 = arith.constant 320 : index
    %swap3A_43 = tpu.vector_load %arg6[%swap3A_42] {strides = array<i32>} : memref<2048xf32, #tpu.memory_space<vmem>>, vector<16xf32>,
    tpu.vector_store %arg6[%swap3A_42], %broadcast_in_dim3A_0 {strides = array<i32>} : memref<2048xf32, #tpu.memory_space<vmem>>, vector<16xf32>,
    %swap3A_44 = arith.constant 336 : index
    %swap3A_45 = tpu.vector_load %arg6[%swap3A_44] {strides = array<i32>} : memref<2048xf32, #tpu.memory_space<vmem>>, vector<16xf32>,
    tpu.vector_store %arg6[%swap3A_44], %broadcast_in_dim3A_0 {strides = array<i32>} : memref<2048xf32, #tpu.memory_space<vmem>>, vector<16xf32>,
    %swap3A_46 = arith.constant 352 : index
    %swap3A_47 = tpu.vector_load %arg6[%swap3A_46] {strides = array<i32>} : memref<2048xf32, #tpu.memory_space<vmem>>, vector<16xf32>,
    tpu.vector_store %arg6[%swap3A_46], %broadcast_in_dim3A_0 {strides = array<i32>} : memref<2048xf32, #tpu.memory_space<vmem>>, vector<16xf32>,
    %swap3A_48 = arith.constant 368 : index
    %swap3A_49 = tpu.vector_load %arg6[%swap3A_48] {strides = array<i32>} : memref<2048xf32, #tpu.memory_space<vmem>>, vector<16xf32>,
    tpu.vector_store %arg6[%swap3A_48], %broadcast_in_dim3A_0 {strides = array<i32>} : memref<2048xf32, #tpu.memory_space<vmem>>, vector<16xf32>,
    %swap3A_50 = arith.constant 384 : index
    %swap3A_51 = tpu.vector_load %arg6[%swap3A_50] {strides = array<i32>} : memref<2048xf32, #tpu.memory_space<vmem>>, vector<16xf32>,
    tpu.vector_store %arg6[%swap3A_50], %broadcast_in_dim3A_0 {strides = array<i32>} : memref<2048xf32, #tpu.memory_space<vmem>>, vector<16xf32>,
    %swap3A_52 = arith.constant 400 : index
    %swap3A_53 = tpu.vector_load %arg6[%swap3A_52] {strides = array<i32>} : memref<2048xf32, #tpu.memory_space<vmem>>, vector<16xf32>,
    tpu.vector_store %arg6[%swap3A_52], %broadcast_in_dim3A_0 {strides = array<i32>} : memref<2048xf32, #tpu.memory_space<vmem>>, vector<16xf32>,
    %swap3A_54 = arith.constant 416 : index
    %swap3A_55 = tpu.vector_load %arg6[%swap3A_54] {strides = array<i32>} : memref<2048xf32, #tpu.memory_space<vmem>>, vector<16xf32>,
    tpu.vector_store %arg6[%swap3A_54], %broadcast_in_dim3A_0 {strides = array<i32>} : memref<2048xf32, #tpu.memory_space<vmem>>, vector<16xf32>,
    %swap3A_56 = arith.constant 432 : index
    %swap3A_57 = tpu.vector_load %arg6[%swap3A_56] {strides = array<i32>} : memref<2048xf32, #tpu.memory_space<vmem>>, vector<16xf32>,
    tpu.vector_store %arg6[%swap3A_56], %broadcast_in_dim3A_0 {strides = array<i32>} : memref<2048xf32, #tpu.memory_space<vmem>>, vector<16xf32>,
    %swap3A_58 = arith.constant 448 : index
    %swap3A_59 = tpu.vector_load %arg6[%swap3A_58] {strides = array<i32>} : memref<2048xf32, #tpu.memory_space<vmem>>, vector<16xf32>,
    tpu.vector_store %arg6[%swap3A_58], %broadcast_in_dim3A_0 {strides = array<i32>} : memref<2048xf32, #tpu.memory_space<vmem>>, vector<16xf32>,
    %swap3A_60 = arith.constant 464 : index
    %swap3A_61 = tpu.vector_load %arg6[%swap3A_60] {strides = array<i32>} : memref<2048xf32, #tpu.memory_space<vmem>>, vector<16xf32>,
    tpu.vector_store %arg6[%swap3A_60], %broadcast_in_dim3A_0 {strides = array<i32>} : memref<2048xf32, #tpu.memory_space<vmem>>, vector<16xf32>,
    %swap3A_62 = arith.constant 480 : index
    %swap3A_63 = tpu.vector_load %arg6[%swap3A_62] {strides = array<i32>} : memref<2048xf32, #tpu.memory_space<vmem>>, vector<16xf32>,
    tpu.vector_store %arg6[%swap3A_62], %broadcast_in_dim3A_0 {strides = array<i32>} : memref<2048xf32, #tpu.memory_space<vmem>>, vector<16xf32>,
    %swap3A_64 = arith.constant 496 : index
    %swap3A_65 = tpu.vector_load %arg6[%swap3A_64] {strides = array<i32>} : memref<2048xf32, #tpu.memory_space<vmem>>, vector<16xf32>,
    tpu.vector_store %arg6[%swap3A_64], %broadcast_in_dim3A_0 {strides = array<i32>} : memref<2048xf32, #tpu.memory_space<vmem>>, vector<16xf32>,
    %swap3A_66 = arith.constant 512 : index
    %swap3A_67 = tpu.vector_load %arg6[%swap3A_66] {strides = array<i32>} : memref<2048xf32, #tpu.memory_space<vmem>>, vector<16xf32>,
    tpu.vector_store %arg6[%swap3A_66], %broadcast_in_dim3A_0 {strides = array<i32>} : memref<2048xf32, #tpu.memory_space<vmem>>, vector<16xf32>,
    %swap3A_68 = arith.constant 528 : index
    %swap3A_69 = tpu.vector_load %arg6[%swap3A_68] {strides = array<i32>} : memref<2048xf32, #tpu.memory_space<vmem>>, vector<16xf32>,
    tpu.vector_store %arg6[%swap3A_68], %broadcast_in_dim3A_0 {strides = array<i32>} : memref<2048xf32, #tpu.memory_space<vmem>>, vector<16xf32>,
    %swap3A_70 = arith.constant 544 : index
    %swap3A_71 = tpu.vector_load %arg6[%swap3A_70] {strides = array<i32>} : memref<2048xf32, #tpu.memory_space<vmem>>, vector<16xf32>,
    tpu.vector_store %arg6[%swap3A_70], %broadcast_in_dim3A_0 {strides = array<i32>} : memref<2048xf32, #tpu.memory_space<vmem>>, vector<16xf32>,
    %swap3A_72 = arith.constant 560 : index
    %swap3A_73 = tpu.vector_load %arg6[%swap3A_72] {strides = array<i32>} : memref<2048xf32, #tpu.memory_space<vmem>>, vector<16xf32>,
    tpu.vector_store %arg6[%swap3A_72], %broadcast_in_dim3A_0 {strides = array<i32>} : memref<2048xf32, #tpu.memory_space<vmem>>, vector<16xf32>,
    %swap3A_74 = arith.constant 576 : index
    %swap3A_75 = tpu.vector_load %arg6[%swap3A_74] {strides = array<i32>} : memref<2048xf32, #tpu.memory_space<vmem>>, vector<16xf32>,
    tpu.vector_store %arg6[%swap3A_74], %broadcast_in_dim3A_0 {strides = array<i32>} : memref<2048xf32, #tpu.memory_space<vmem>>, vector<16xf32>,
    %swap3A_76 = arith.constant 592 : index
    %swap3A_77 = tpu.vector_load %arg6[%swap3A_76] {strides = array<i32>} : memref<2048xf32, #tpu.memory_space<vmem>>, vector<16xf32>,
    tpu.vector_store %arg6[%swap3A_76], %broadcast_in_dim3A_0 {strides = array<i32>} : memref<2048xf32, #tpu.memory_space<vmem>>, vector<16xf32>,
    %swap3A_78 = arith.constant 608 : index
    %swap3A_79 = tpu.vector_load %arg6[%swap3A_78] {strides = array<i32>} : memref<2048xf32, #tpu.memory_space<vmem>>, vector<16xf32>,
    tpu.vector_store %arg6[%swap3A_78], %broadcast_in_dim3A_0 {strides = array<i32>} : memref<2048xf32, #tpu.memory_space<vmem>>, vector<16xf32>,
    %swap3A_80 = arith.constant 624 : index
    %swap3A_81 = tpu.vector_load %arg6[%swap3A_80] {strides = array<i32>} : memref<2048xf32, #tpu.memory_space<vmem>>, vector<16xf32>,
    tpu.vector_store %arg6[%swap3A_80], %broadcast_in_dim3A_0 {strides = array<i32>} : memref<2048xf32, #tpu.memory_space<vmem>>, vector<16xf32>,
    %swap3A_82 = arith.constant 640 : index
    %swap3A_83 = tpu.vector_load %arg6[%swap3A_82] {strides = array<i32>} : memref<2048xf32, #tpu.memory_space<vmem>>, vector<16xf32>,
    tpu.vector_store %arg6[%swap3A_82], %broadcast_in_dim3A_0 {strides = array<i32>} : memref<2048xf32, #tpu.memory_space<vmem>>, vector<16xf32>,
    %swap3A_84 = arith.constant 656 : index
    %swap3A_85 = tpu.vector_load %arg6[%swap3A_84] {strides = array<i32>} : memref<2048xf32, #tpu.memory_space<vmem>>, vector<16xf32>,
    tpu.vector_store %arg6[%swap3A_84], %broadcast_in_dim3A_0 {strides = array<i32>} : memref<2048xf32, #tpu.memory_space<vmem>>, vector<16xf32>,
    %swap3A_86 = arith.constant 672 : index
    %swap3A_87 = tpu.vector_load %arg6[%swap3A_86] {strides = array<i32>} : memref<2048xf32, #tpu.memory_space<vmem>>, vector<16xf32>,
    tpu.vector_store %arg6[%swap3A_86], %broadcast_in_dim3A_0 {strides = array<i32>} : memref<2048xf32, #tpu.memory_space<vmem>>, vector<16xf32>,
    %swap3A_88 = arith.constant 688 : index
    %swap3A_89 = tpu.vector_load %arg6[%swap3A_88] {strides = array<i32>} : memref<2048xf32, #tpu.memory_space<vmem>>, vector<16xf32>,
    tpu.vector_store %arg6[%swap3A_88], %broadcast_in_dim3A_0 {strides = array<i32>} : memref<2048xf32, #tpu.memory_space<vmem>>, vector<16xf32>,
    %swap3A_90 = arith.constant 704 : index
    %swap3A_91 = tpu.vector_load %arg6[%swap3A_90] {strides = array<i32>} : memref<2048xf32, #tpu.memory_space<vmem>>, vector<16xf32>,
    tpu.vector_store %arg6[%swap3A_90], %broadcast_in_dim3A_0 {strides = array<i32>} : memref<2048xf32, #tpu.memory_space<vmem>>, vector<16xf32>,
    %swap3A_92 = arith.constant 720 : index
    %swap3A_93 = tpu.vector_load %arg6[%swap3A_92] {strides = array<i32>} : memref<2048xf32, #tpu.memory_space<vmem>>, vector<16xf32>,
    tpu.vector_store %arg6[%swap3A_92], %broadcast_in_dim3A_0 {strides = array<i32>} : memref<2048xf32, #tpu.memory_space<vmem>>, vector<16xf32>,
    %swap3A_94 = arith.constant 736 : index
    %swap3A_95 = tpu.vector_load %arg6[%swap3A_94] {strides = array<i32>} : memref<2048xf32, #tpu.memory_space<vmem>>, vector<16xf32>,
    tpu.vector_store %arg6[%swap3A_94], %broadcast_in_dim3A_0 {strides = array<i32>} : memref<2048xf32, #tpu.memory_space<vmem>>, vector<16xf32>,
    %swap3A_96 = arith.constant 752 : index
    %swap3A_97 = tpu.vector_load %arg6[%swap3A_96] {strides = array<i32>} : memref<2048xf32, #tpu.memory_space<vmem>>, vector<16xf32>,
    tpu.vector_store %arg6[%swap3A_96], %broadcast_in_dim3A_0 {strides = array<i32>} : memref<2048xf32, #tpu.memory_space<vmem>>, vector<16xf32>,
    %swap3A_98 = arith.constant 768 : index
    %swap3A_99 = tpu.vector_load %arg6[%swap3A_98] {strides = array<i32>} : memref<2048xf32, #tpu.memory_space<vmem>>, vector<16xf32>,
    tpu.vector_store %arg6[%swap3A_98], %broadcast_in_dim3A_0 {strides = array<i32>} : memref<2048xf32, #tpu.memory_space<vmem>>, vector<16xf32>,
    %swap3A_100 = arith.constant 784 : index
    %swap3A_101 = tpu.vector_load %arg6[%swap3A_100] {strides = array<i32>} : memref<2048xf32, #tpu.memory_space<vmem>>, vector<16xf32>,
    tpu.vector_store %arg6[%swap3A_100], %broadcast_in_dim3A_0 {strides = array<i32>} : memref<2048xf32, #tpu.memory_space<vmem>>, vector<16xf32>,
    %swap3A_102 = arith.constant 800 : index
    %swap3A_103 = tpu.vector_load %arg6[%swap3A_102] {strides = array<i32>} : memref<2048xf32, #tpu.memory_space<vmem>>, vector<16xf32>,
    tpu.vector_store %arg6[%swap3A_102], %broadcast_in_dim3A_0 {strides = array<i32>} : memref<2048xf32, #tpu.memory_space<vmem>>, vector<16xf32>,
    %swap3A_104 = arith.constant 816 : index
    %swap3A_105 = tpu.vector_load %arg6[%swap3A_104] {strides = array<i32>} : memref<2048xf32, #tpu.memory_space<vmem>>, vector<16xf32>,
    tpu.vector_store %arg6[%swap3A_104], %broadcast_in_dim3A_0 {strides = array<i32>} : memref<2048xf32, #tpu.memory_space<vmem>>, vector<16xf32>,
    %swap3A_106 = arith.constant 832 : index
    %swap3A_107 = tpu.vector_load %arg6[%swap3A_106] {strides = array<i32>} : memref<2048xf32, #tpu.memory_space<vmem>>, vector<16xf32>,
    tpu.vector_store %arg6[%swap3A_106], %broadcast_in_dim3A_0 {strides = array<i32>} : memref<2048xf32, #tpu.memory_space<vmem>>, vector<16xf32>,
    %swap3A_108 = arith.constant 848 : index
    %swap3A_109 = tpu.vector_load %arg6[%swap3A_108] {strides = array<i32>} : memref<2048xf32, #tpu.memory_space<vmem>>, vector<16xf32>,
    tpu.vector_store %arg6[%swap3A_108], %broadcast_in_dim3A_0 {strides = array<i32>} : memref<2048xf32, #tpu.memory_space<vmem>>, vector<16xf32>,
    %swap3A_110 = arith.constant 864 : index
    %swap3A_111 = tpu.vector_load %arg6[%swap3A_110] {strides = array<i32>} : memref<2048xf32, #tpu.memory_space<vmem>>, vector<16xf32>,
    tpu.vector_store %arg6[%swap3A_110], %broadcast_in_dim3A_0 {strides = array<i32>} : memref<2048xf32, #tpu.memory_space<vmem>>, vector<16xf32>,
    %swap3A_112 = arith.constant 880 : index
    %swap3A_113 = tpu.vector_load %arg6[%swap3A_112] {strides = array<i32>} : memref<2048xf32, #tpu.memory_space<vmem>>, vector<16xf32>,
    tpu.vector_store %arg6[%swap3A_112], %broadcast_in_dim3A_0 {strides = array<i32>} : memref<2048xf32, #tpu.memory_space<vmem>>, vector<16xf32>,
    %swap3A_114 = arith.constant 896 : index
    %swap3A_115 = tpu.vector_load %arg6[%swap3A_114] {strides = array<i32>} : memref<2048xf32, #tpu.memory_space<vmem>>, vector<16xf32>,
    tpu.vector_store %arg6[%swap3A_114], %broadcast_in_dim3A_0 {strides = array<i32>} : memref<2048xf32, #tpu.memory_space<vmem>>, vector<16xf32>,
    %swap3A_116 = arith.constant 912 : index
    %swap3A_117 = tpu.vector_load %arg6[%swap3A_116] {strides = array<i32>} : memref<2048xf32, #tpu.memory_space<vmem>>, vector<16xf32>,
    tpu.vector_store %arg6[%swap3A_116], %broadcast_in_dim3A_0 {strides = array<i32>} : memref<2048xf32, #tpu.memory_space<vmem>>, vector<16xf32>,
    %swap3A_118 = arith.constant 928 : index
    %swap3A_119 = tpu.vector_load %arg6[%swap3A_118] {strides = array<i32>} : memref<2048xf32, #tpu.memory_space<vmem>>, vector<16xf32>,
    tpu.vector_store %arg6[%swap3A_118], %broadcast_in_dim3A_0 {strides = array<i32>} : memref<2048xf32, #tpu.memory_space<vmem>>, vector<16xf32>,
    %swap3A_120 = arith.constant 944 : index
    %swap3A_121 = tpu.vector_load %arg6[%swap3A_120] {strides = array<i32>} : memref<2048xf32, #tpu.memory_space<vmem>>, vector<16xf32>,
    tpu.vector_store %arg6[%swap3A_120], %broadcast_in_dim3A_0 {strides = array<i32>} : memref<2048xf32, #tpu.memory_space<vmem>>, vector<16xf32>,
    %swap3A_122 = arith.constant 960 : index
    %swap3A_123 = tpu.vector_load %arg6[%swap3A_122] {strides = array<i32>} : memref<2048xf32, #tpu.memory_space<vmem>>, vector<16xf32>,
    tpu.vector_store %arg6[%swap3A_122], %broadcast_in_dim3A_0 {strides = array<i32>} : memref<2048xf32, #tpu.memory_space<vmem>>, vector<16xf32>,
    %swap3A_124 = arith.constant 976 : index
    %swap3A_125 = tpu.vector_load %arg6[%swap3A_124] {strides = array<i32>} : memref<2048xf32, #tpu.memory_space<vmem>>, vector<16xf32>,
    tpu.vector_store %arg6[%swap3A_124], %broadcast_in_dim3A_0 {strides = array<i32>} : memref<2048xf32, #tpu.memory_space<vmem>>, vector<16xf32>,
    %swap3A_126 = arith.constant 992 : index
    %swap3A_127 = tpu.vector_load %arg6[%swap3A_126] {strides = array<i32>} : memref<2048xf32, #tpu.memory_space<vmem>>, vector<16xf32>,
    tpu.vector_store %arg6[%swap3A_126], %broadcast_in_dim3A_0 {strides = array<i32>} : memref<2048xf32, #tpu.memory_space<vmem>>, vector<16xf32>,
    %swap3A_128 = arith.constant 1008 : index
    %swap3A_129 = tpu.vector_load %arg6[%swap3A_128] {strides = array<i32>} : memref<2048xf32, #tpu.memory_space<vmem>>, vector<16xf32>,
    tpu.vector_store %arg6[%swap3A_128], %broadcast_in_dim3A_0 {strides = array<i32>} : memref<2048xf32, #tpu.memory_space<vmem>>, vector<16xf32>,
    %swap3A_130 = arith.constant 1024 : index
    %swap3A_131 = tpu.vector_load %arg6[%swap3A_130] {strides = array<i32>} : memref<2048xf32, #tpu.memory_space<vmem>>, vector<16xf32>,
    tpu.vector_store %arg6[%swap3A_130], %broadcast_in_dim3A_0 {strides = array<i32>} : memref<2048xf32, #tpu.memory_space<vmem>>, vector<16xf32>,
    %swap3A_132 = arith.constant 1040 : index
    %swap3A_133 = tpu.vector_load %arg6[%swap3A_132] {strides = array<i32>} : memref<2048xf32, #tpu.memory_space<vmem>>, vector<16xf32>,
    tpu.vector_store %arg6[%swap3A_132], %broadcast_in_dim3A_0 {strides = array<i32>} : memref<2048xf32, #tpu.memory_space<vmem>>, vector<16xf32>,
    %swap3A_134 = arith.constant 1056 : index
    %swap3A_135 = tpu.vector_load %arg6[%swap3A_134] {strides = array<i32>} : memref<2048xf32, #tpu.memory_space<vmem>>, vector<16xf32>,
    tpu.vector_store %arg6[%swap3A_134], %broadcast_in_dim3A_0 {strides = array<i32>} : memref<2048xf32, #tpu.memory_space<vmem>>, vector<16xf32>,
    %swap3A_136 = arith.constant 1072 : index
    %swap3A_137 = tpu.vector_load %arg6[%swap3A_136] {strides = array<i32>} : memref<2048xf32, #tpu.memory_space<vmem>>, vector<16xf32>,
    tpu.vector_store %arg6[%swap3A_136], %broadcast_in_dim3A_0 {strides = array<i32>} : memref<2048xf32, #tpu.memory_space<vmem>>, vector<16xf32>,
    %swap3A_138 = arith.constant 1088 : index
    %swap3A_139 = tpu.vector_load %arg6[%swap3A_138] {strides = array<i32>} : memref<2048xf32, #tpu.memory_space<vmem>>, vector<16xf32>,
    tpu.vector_store %arg6[%swap3A_138], %broadcast_in_dim3A_0 {strides = array<i32>} : memref<2048xf32, #tpu.memory_space<vmem>>, vector<16xf32>,
    %swap3A_140 = arith.constant 1104 : index
    %swap3A_141 = tpu.vector_load %arg6[%swap3A_140] {strides = array<i32>} : memref<2048xf32, #tpu.memory_space<vmem>>, vector<16xf32>,
    tpu.vector_store %arg6[%swap3A_140], %broadcast_in_dim3A_0 {strides = array<i32>} : memref<2048xf32, #tpu.memory_space<vmem>>, vector<16xf32>,
    %swap3A_142 = arith.constant 1120 : index
    %swap3A_143 = tpu.vector_load %arg6[%swap3A_142] {strides = array<i32>} : memref<2048xf32, #tpu.memory_space<vmem>>, vector<16xf32>,
    tpu.vector_store %arg6[%swap3A_142], %broadcast_in_dim3A_0 {strides = array<i32>} : memref<2048xf32, #tpu.memory_space<vmem>>, vector<16xf32>,
    %swap3A_144 = arith.constant 1136 : index
    %swap3A_145 = tpu.vector_load %arg6[%swap3A_144] {strides = array<i32>} : memref<2048xf32, #tpu.memory_space<vmem>>, vector<16xf32>,
    tpu.vector_store %arg6[%swap3A_144], %broadcast_in_dim3A_0 {strides = array<i32>} : memref<2048xf32, #tpu.memory_space<vmem>>, vector<16xf32>,
    %swap3A_146 = arith.constant 1152 : index
    %swap3A_147 = tpu.vector_load %arg6[%swap3A_146] {strides = array<i32>} : memref<2048xf32, #tpu.memory_space<vmem>>, vector<16xf32>,
    tpu.vector_store %arg6[%swap3A_146], %broadcast_in_dim3A_0 {strides = array<i32>} : memref<2048xf32, #tpu.memory_space<vmem>>, vector<16xf32>,
    %swap3A_148 = arith.constant 1168 : index
    %swap3A_149 = tpu.vector_load %arg6[%swap3A_148] {strides = array<i32>} : memref<2048xf32, #tpu.memory_space<vmem>>, vector<16xf32>,
    tpu.vector_store %arg6[%swap3A_148], %broadcast_in_dim3A_0 {strides = array<i32>} : memref<2048xf32, #tpu.memory_space<vmem>>, vector<16xf32>,
    %swap3A_150 = arith.constant 1184 : index
    %swap3A_151 = tpu.vector_load %arg6[%swap3A_150] {strides = array<i32>} : memref<2048xf32, #tpu.memory_space<vmem>>, vector<16xf32>,
    tpu.vector_store %arg6[%swap3A_150], %broadcast_in_dim3A_0 {strides = array<i32>} : memref<2048xf32, #tpu.memory_space<vmem>>, vector<16xf32>,
    %swap3A_152 = arith.constant 1200 : index
    %swap3A_153 = tpu.vector_load %arg6[%swap3A_152] {strides = array<i32>} : memref<2048xf32, #tpu.memory_space<vmem>>, vector<16xf32>,
    tpu.vector_store %arg6[%swap3A_152], %broadcast_in_dim3A_0 {strides = array<i32>} : memref<2048xf32, #tpu.memory_space<vmem>>, vector<16xf32>,
    %swap3A_154 = arith.constant 1216 : index
    %swap3A_155 = tpu.vector_load %arg6[%swap3A_154] {strides = array<i32>} : memref<2048xf32, #tpu.memory_space<vmem>>, vector<16xf32>,
    tpu.vector_store %arg6[%swap3A_154], %broadcast_in_dim3A_0 {strides = array<i32>} : memref<2048xf32, #tpu.memory_space<vmem>>, vector<16xf32>,
    %swap3A_156 = arith.constant 1232 : index
    %swap3A_157 = tpu.vector_load %arg6[%swap3A_156] {strides = array<i32>} : memref<2048xf32, #tpu.memory_space<vmem>>, vector<16xf32>,
    tpu.vector_store %arg6[%swap3A_156], %broadcast_in_dim3A_0 {strides = array<i32>} : memref<2048xf32, #tpu.memory_space<vmem>>, vector<16xf32>,
    %swap3A_158 = arith.constant 1248 : index
    %swap3A_159 = tpu.vector_load %arg6[%swap3A_158] {strides = array<i32>} : memref<2048xf32, #tpu.memory_space<vmem>>, vector<16xf32>,
    tpu.vector_store %arg6[%swap3A_158], %broadcast_in_dim3A_0 {strides = array<i32>} : memref<2048xf32, #tpu.memory_space<vmem>>, vector<16xf32>,
    %swap3A_160 = arith.constant 1264 : index
    %swap3A_161 = tpu.vector_load %arg6[%swap3A_160] {strides = array<i32>} : memref<2048xf32, #tpu.memory_space<vmem>>, vector<16xf32>,
    tpu.vector_store %arg6[%swap3A_160], %broadcast_in_dim3A_0 {strides = array<i32>} : memref<2048xf32, #tpu.memory_space<vmem>>, vector<16xf32>,
    %swap3A_162 = arith.constant 1280 : index
    %swap3A_163 = tpu.vector_load %arg6[%swap3A_162] {strides = array<i32>} : memref<2048xf32, #tpu.memory_space<vmem>>, vector<16xf32>,
    tpu.vector_store %arg6[%swap3A_162], %broadcast_in_dim3A_0 {strides = array<i32>} : memref<2048xf32, #tpu.memory_space<vmem>>, vector<16xf32>,
    %swap3A_164 = arith.constant 1296 : index
    %swap3A_165 = tpu.vector_load %arg6[%swap3A_164] {strides = array<i32>} : memref<2048xf32, #tpu.memory_space<vmem>>, vector<16xf32>,
    tpu.vector_store %arg6[%swap3A_164], %broadcast_in_dim3A_0 {strides = array<i32>} : memref<2048xf32, #tpu.memory_space<vmem>>, vector<16xf32>,
    %swap3A_166 = arith.constant 1312 : index
    %swap3A_167 = tpu.vector_load %arg6[%swap3A_166] {strides = array<i32>} : memref<2048xf32, #tpu.memory_space<vmem>>, vector<16xf32>,
    tpu.vector_store %arg6[%swap3A_166], %broadcast_in_dim3A_0 {strides = array<i32>} : memref<2048xf32, #tpu.memory_space<vmem>>, vector<16xf32>,
    %swap3A_168 = arith.constant 1328 : index
    %swap3A_169 = tpu.vector_load %arg6[%swap3A_168] {strides = array<i32>} : memref<2048xf32, #tpu.memory_space<vmem>>, vector<16xf32>,
    tpu.vector_store %arg6[%swap3A_168], %broadcast_in_dim3A_0 {strides = array<i32>} : memref<2048xf32, #tpu.memory_space<vmem>>, vector<16xf32>,
    %swap3A_170 = arith.constant 1344 : index
    %swap3A_171 = tpu.vector_load %arg6[%swap3A_170] {strides = array<i32>} : memref<2048xf32, #tpu.memory_space<vmem>>, vector<16xf32>,
    tpu.vector_store %arg6[%swap3A_170], %broadcast_in_dim3A_0 {strides = array<i32>} : memref<2048xf32, #tpu.memory_space<vmem>>, vector<16xf32>,
    %swap3A_172 = arith.constant 1360 : index
    %swap3A_173 = tpu.vector_load %arg6[%swap3A_172] {strides = array<i32>} : memref<2048xf32, #tpu.memory_space<vmem>>, vector<16xf32>,
    tpu.vector_store %arg6[%swap3A_172], %broadcast_in_dim3A_0 {strides = array<i32>} : memref<2048xf32, #tpu.memory_space<vmem>>, vector<16xf32>,
    %swap3A_174 = arith.constant 1376 : index
    %swap3A_175 = tpu.vector_load %arg6[%swap3A_174] {strides = array<i32>} : memref<2048xf32, #tpu.memory_space<vmem>>, vector<16xf32>,
    tpu.vector_store %arg6[%swap3A_174], %broadcast_in_dim3A_0 {strides = array<i32>} : memref<2048xf32, #tpu.memory_space<vmem>>, vector<16xf32>,
    %swap3A_176 = arith.constant 1392 : index
    %swap3A_177 = tpu.vector_load %arg6[%swap3A_176] {strides = array<i32>} : memref<2048xf32, #tpu.memory_space<vmem>>, vector<16xf32>,
    tpu.vector_store %arg6[%swap3A_176], %broadcast_in_dim3A_0 {strides = array<i32>} : memref<2048xf32, #tpu.memory_space<vmem>>, vector<16xf32>,
    %swap3A_178 = arith.constant 1408 : index
    %swap3A_179 = tpu.vector_load %arg6[%swap3A_178] {strides = array<i32>} : memref<2048xf32, #tpu.memory_space<vmem>>, vector<16xf32>,
    tpu.vector_store %arg6[%swap3A_178], %broadcast_in_dim3A_0 {strides = array<i32>} : memref<2048xf32, #tpu.memory_space<vmem>>, vector<16xf32>,
    %swap3A_180 = arith.constant 1424 : index
    %swap3A_181 = tpu.vector_load %arg6[%swap3A_180] {strides = array<i32>} : memref<2048xf32, #tpu.memory_space<vmem>>, vector<16xf32>,
    tpu.vector_store %arg6[%swap3A_180], %broadcast_in_dim3A_0 {strides = array<i32>} : memref<2048xf32, #tpu.memory_space<vmem>>, vector<16xf32>,
    %swap3A_182 = arith.constant 1440 : index
    %swap3A_183 = tpu.vector_load %arg6[%swap3A_182] {strides = array<i32>} : memref<2048xf32, #tpu.memory_space<vmem>>, vector<16xf32>,
    tpu.vector_store %arg6[%swap3A_182], %broadcast_in_dim3A_0 {strides = array<i32>} : memref<2048xf32, #tpu.memory_space<vmem>>, vector<16xf32>,
    %swap3A_184 = arith.constant 1456 : index
    %swap3A_185 = tpu.vector_load %arg6[%swap3A_184] {strides = array<i32>} : memref<2048xf32, #tpu.memory_space<vmem>>, vector<16xf32>,
    tpu.vector_store %arg6[%swap3A_184], %broadcast_in_dim3A_0 {strides = array<i32>} : memref<2048xf32, #tpu.memory_space<vmem>>, vector<16xf32>,
    %swap3A_186 = arith.constant 1472 : index
    %swap3A_187 = tpu.vector_load %arg6[%swap3A_186] {strides = array<i32>} : memref<2048xf32, #tpu.memory_space<vmem>>, vector<16xf32>,
    tpu.vector_store %arg6[%swap3A_186], %broadcast_in_dim3A_0 {strides = array<i32>} : memref<2048xf32, #tpu.memory_space<vmem>>, vector<16xf32>,
    %swap3A_188 = arith.constant 1488 : index
    %swap3A_189 = tpu.vector_load %arg6[%swap3A_188] {strides = array<i32>} : memref<2048xf32, #tpu.memory_space<vmem>>, vector<16xf32>,
    tpu.vector_store %arg6[%swap3A_188], %broadcast_in_dim3A_0 {strides = array<i32>} : memref<2048xf32, #tpu.memory_space<vmem>>, vector<16xf32>,
    %swap3A_190 = arith.constant 1504 : index
    %swap3A_191 = tpu.vector_load %arg6[%swap3A_190] {strides = array<i32>} : memref<2048xf32, #tpu.memory_space<vmem>>, vector<16xf32>,
    tpu.vector_store %arg6[%swap3A_190], %broadcast_in_dim3A_0 {strides = array<i32>} : memref<2048xf32, #tpu.memory_space<vmem>>, vector<16xf32>,
    %swap3A_192 = arith.constant 1520 : index
    %swap3A_193 = tpu.vector_load %arg6[%swap3A_192] {strides = array<i32>} : memref<2048xf32, #tpu.memory_space<vmem>>, vector<16xf32>,
    tpu.vector_store %arg6[%swap3A_192], %broadcast_in_dim3A_0 {strides = array<i32>} : memref<2048xf32, #tpu.memory_space<vmem>>, vector<16xf32>,
    %swap3A_194 = arith.constant 1536 : index
    %swap3A_195 = tpu.vector_load %arg6[%swap3A_194] {strides = array<i32>} : memref<2048xf32, #tpu.memory_space<vmem>>, vector<16xf32>,
    tpu.vector_store %arg6[%swap3A_194], %broadcast_in_dim3A_0 {strides = array<i32>} : memref<2048xf32, #tpu.memory_space<vmem>>, vector<16xf32>,
    %swap3A_196 = arith.constant 1552 : index
    %swap3A_197 = tpu.vector_load %arg6[%swap3A_196] {strides = array<i32>} : memref<2048xf32, #tpu.memory_space<vmem>>, vector<16xf32>,
    tpu.vector_store %arg6[%swap3A_196], %broadcast_in_dim3A_0 {strides = array<i32>} : memref<2048xf32, #tpu.memory_space<vmem>>, vector<16xf32>,
    %swap3A_198 = arith.constant 1568 : index
    %swap3A_199 = tpu.vector_load %arg6[%swap3A_198] {strides = array<i32>} : memref<2048xf32, #tpu.memory_space<vmem>>, vector<16xf32>,
    tpu.vector_store %arg6[%swap3A_198], %broadcast_in_dim3A_0 {strides = array<i32>} : memref<2048xf32, #tpu.memory_space<vmem>>, vector<16xf32>,
    %swap3A_200 = arith.constant 1584 : index
    %swap3A_201 = tpu.vector_load %arg6[%swap3A_200] {strides = array<i32>} : memref<2048xf32, #tpu.memory_space<vmem>>, vector<16xf32>,
    tpu.vector_store %arg6[%swap3A_200], %broadcast_in_dim3A_0 {strides = array<i32>} : memref<2048xf32, #tpu.memory_space<vmem>>, vector<16xf32>,
    %swap3A_202 = arith.constant 1600 : index
    %swap3A_203 = tpu.vector_load %arg6[%swap3A_202] {strides = array<i32>} : memref<2048xf32, #tpu.memory_space<vmem>>, vector<16xf32>,
    tpu.vector_store %arg6[%swap3A_202], %broadcast_in_dim3A_0 {strides = array<i32>} : memref<2048xf32, #tpu.memory_space<vmem>>, vector<16xf32>,
    %swap3A_204 = arith.constant 1616 : index
    %swap3A_205 = tpu.vector_load %arg6[%swap3A_204] {strides = array<i32>} : memref<2048xf32, #tpu.memory_space<vmem>>, vector<16xf32>,
    tpu.vector_store %arg6[%swap3A_204], %broadcast_in_dim3A_0 {strides = array<i32>} : memref<2048xf32, #tpu.memory_space<vmem>>, vector<16xf32>,
    %swap3A_206 = arith.constant 1632 : index
    %swap3A_207 = tpu.vector_load %arg6[%swap3A_206] {strides = array<i32>} : memref<2048xf32, #tpu.memory_space<vmem>>, vector<16xf32>,
    tpu.vector_store %arg6[%swap3A_206], %broadcast_in_dim3A_0 {strides = array<i32>} : memref<2048xf32, #tpu.memory_space<vmem>>, vector<16xf32>,
    %swap3A_208 = arith.constant 1648 : index
    %swap3A_209 = tpu.vector_load %arg6[%swap3A_208] {strides = array<i32>} : memref<2048xf32, #tpu.memory_space<vmem>>, vector<16xf32>,
    tpu.vector_store %arg6[%swap3A_208], %broadcast_in_dim3A_0 {strides = array<i32>} : memref<2048xf32, #tpu.memory_space<vmem>>, vector<16xf32>,
    %swap3A_210 = arith.constant 1664 : index
    %swap3A_211 = tpu.vector_load %arg6[%swap3A_210] {strides = array<i32>} : memref<2048xf32, #tpu.memory_space<vmem>>, vector<16xf32>,
    tpu.vector_store %arg6[%swap3A_210], %broadcast_in_dim3A_0 {strides = array<i32>} : memref<2048xf32, #tpu.memory_space<vmem>>, vector<16xf32>,
    %swap3A_212 = arith.constant 1680 : index
    %swap3A_213 = tpu.vector_load %arg6[%swap3A_212] {strides = array<i32>} : memref<2048xf32, #tpu.memory_space<vmem>>, vector<16xf32>,
    tpu.vector_store %arg6[%swap3A_212], %broadcast_in_dim3A_0 {strides = array<i32>} : memref<2048xf32, #tpu.memory_space<vmem>>, vector<16xf32>,
    %swap3A_214 = arith.constant 1696 : index
    %swap3A_215 = tpu.vector_load %arg6[%swap3A_214] {strides = array<i32>} : memref<2048xf32, #tpu.memory_space<vmem>>, vector<16xf32>,
    tpu.vector_store %arg6[%swap3A_214], %broadcast_in_dim3A_0 {strides = array<i32>} : memref<2048xf32, #tpu.memory_space<vmem>>, vector<16xf32>,
    %swap3A_216 = arith.constant 1712 : index
    %swap3A_217 = tpu.vector_load %arg6[%swap3A_216] {strides = array<i32>} : memref<2048xf32, #tpu.memory_space<vmem>>, vector<16xf32>,
    tpu.vector_store %arg6[%swap3A_216], %broadcast_in_dim3A_0 {strides = array<i32>} : memref<2048xf32, #tpu.memory_space<vmem>>, vector<16xf32>,
    %swap3A_218 = arith.constant 1728 : index
    %swap3A_219 = tpu.vector_load %arg6[%swap3A_218] {strides = array<i32>} : memref<2048xf32, #tpu.memory_space<vmem>>, vector<16xf32>,
    tpu.vector_store %arg6[%swap3A_218], %broadcast_in_dim3A_0 {strides = array<i32>} : memref<2048xf32, #tpu.memory_space<vmem>>, vector<16xf32>,
    %swap3A_220 = arith.constant 1744 : index
    %swap3A_221 = tpu.vector_load %arg6[%swap3A_220] {strides = array<i32>} : memref<2048xf32, #tpu.memory_space<vmem>>, vector<16xf32>,
    tpu.vector_store %arg6[%swap3A_220], %broadcast_in_dim3A_0 {strides = array<i32>} : memref<2048xf32, #tpu.memory_space<vmem>>, vector<16xf32>,
    %swap3A_222 = arith.constant 1760 : index
    %swap3A_223 = tpu.vector_load %arg6[%swap3A_222] {strides = array<i32>} : memref<2048xf32, #tpu.memory_space<vmem>>, vector<16xf32>,
    tpu.vector_store %arg6[%swap3A_222], %broadcast_in_dim3A_0 {strides = array<i32>} : memref<2048xf32, #tpu.memory_space<vmem>>, vector<16xf32>,
    %swap3A_224 = arith.constant 1776 : index
    %swap3A_225 = tpu.vector_load %arg6[%swap3A_224] {strides = array<i32>} : memref<2048xf32, #tpu.memory_space<vmem>>, vector<16xf32>,
    tpu.vector_store %arg6[%swap3A_224], %broadcast_in_dim3A_0 {strides = array<i32>} : memref<2048xf32, #tpu.memory_space<vmem>>, vector<16xf32>,
    %swap3A_226 = arith.constant 1792 : index
    %swap3A_227 = tpu.vector_load %arg6[%swap3A_226] {strides = array<i32>} : memref<2048xf32, #tpu.memory_space<vmem>>, vector<16xf32>,
    tpu.vector_store %arg6[%swap3A_226], %broadcast_in_dim3A_0 {strides = array<i32>} : memref<2048xf32, #tpu.memory_space<vmem>>, vector<16xf32>,
    %swap3A_228 = arith.constant 1808 : index
    %swap3A_229 = tpu.vector_load %arg6[%swap3A_228] {strides = array<i32>} : memref<2048xf32, #tpu.memory_space<vmem>>, vector<16xf32>,
    tpu.vector_store %arg6[%swap3A_228], %broadcast_in_dim3A_0 {strides = array<i32>} : memref<2048xf32, #tpu.memory_space<vmem>>, vector<16xf32>,
    %swap3A_230 = arith.constant 1824 : index
    %swap3A_231 = tpu.vector_load %arg6[%swap3A_230] {strides = array<i32>} : memref<2048xf32, #tpu.memory_space<vmem>>, vector<16xf32>,
    tpu.vector_store %arg6[%swap3A_230], %broadcast_in_dim3A_0 {strides = array<i32>} : memref<2048xf32, #tpu.memory_space<vmem>>, vector<16xf32>,
    %swap3A_232 = arith.constant 1840 : index
    %swap3A_233 = tpu.vector_load %arg6[%swap3A_232] {strides = array<i32>} : memref<2048xf32, #tpu.memory_space<vmem>>, vector<16xf32>,
    tpu.vector_store %arg6[%swap3A_232], %broadcast_in_dim3A_0 {strides = array<i32>} : memref<2048xf32, #tpu.memory_space<vmem>>, vector<16xf32>,
    %swap3A_234 = arith.constant 1856 : index
    %swap3A_235 = tpu.vector_load %arg6[%swap3A_234] {strides = array<i32>} : memref<2048xf32, #tpu.memory_space<vmem>>, vector<16xf32>,
    tpu.vector_store %arg6[%swap3A_234], %broadcast_in_dim3A_0 {strides = array<i32>} : memref<2048xf32, #tpu.memory_space<vmem>>, vector<16xf32>,
    %swap3A_236 = arith.constant 1872 : index
    %swap3A_237 = tpu.vector_load %arg6[%swap3A_236] {strides = array<i32>} : memref<2048xf32, #tpu.memory_space<vmem>>, vector<16xf32>,
    tpu.vector_store %arg6[%swap3A_236], %broadcast_in_dim3A_0 {strides = array<i32>} : memref<2048xf32, #tpu.memory_space<vmem>>, vector<16xf32>,
    %swap3A_238 = arith.constant 1888 : index
    %swap3A_239 = tpu.vector_load %arg6[%swap3A_238] {strides = array<i32>} : memref<2048xf32, #tpu.memory_space<vmem>>, vector<16xf32>,
    tpu.vector_store %arg6[%swap3A_238], %broadcast_in_dim3A_0 {strides = array<i32>} : memref<2048xf32, #tpu.memory_space<vmem>>, vector<16xf32>,
    %swap3A_240 = arith.constant 1904 : index
    %swap3A_241 = tpu.vector_load %arg6[%swap3A_240] {strides = array<i32>} : memref<2048xf32, #tpu.memory_space<vmem>>, vector<16xf32>,
    tpu.vector_store %arg6[%swap3A_240], %broadcast_in_dim3A_0 {strides = array<i32>} : memref<2048xf32, #tpu.memory_space<vmem>>, vector<16xf32>,
    %swap3A_242 = arith.constant 1920 : index
    %swap3A_243 = tpu.vector_load %arg6[%swap3A_242] {strides = array<i32>} : memref<2048xf32, #tpu.memory_space<vmem>>, vector<16xf32>,
    tpu.vector_store %arg6[%swap3A_242], %broadcast_in_dim3A_0 {strides = array<i32>} : memref<2048xf32, #tpu.memory_space<vmem>>, vector<16xf32>,
    %swap3A_244 = arith.constant 1936 : index
    %swap3A_245 = tpu.vector_load %arg6[%swap3A_244] {strides = array<i32>} : memref<2048xf32, #tpu.memory_space<vmem>>, vector<16xf32>,
    tpu.vector_store %arg6[%swap3A_244], %broadcast_in_dim3A_0 {strides = array<i32>} : memref<2048xf32, #tpu.memory_space<vmem>>, vector<16xf32>,
    %swap3A_246 = arith.constant 1952 : index
    %swap3A_247 = tpu.vector_load %arg6[%swap3A_246] {strides = array<i32>} : memref<2048xf32, #tpu.memory_space<vmem>>, vector<16xf32>,
    tpu.vector_store %arg6[%swap3A_246], %broadcast_in_dim3A_0 {strides = array<i32>} : memref<2048xf32, #tpu.memory_space<vmem>>, vector<16xf32>,
    %swap3A_248 = arith.constant 1968 : index
    %swap3A_249 = tpu.vector_load %arg6[%swap3A_248] {strides = array<i32>} : memref<2048xf32, #tpu.memory_space<vmem>>, vector<16xf32>,
    tpu.vector_store %arg6[%swap3A_248], %broadcast_in_dim3A_0 {strides = array<i32>} : memref<2048xf32, #tpu.memory_space<vmem>>, vector<16xf32>,
    %swap3A_250 = arith.constant 1984 : index
    %swap3A_251 = tpu.vector_load %arg6[%swap3A_250] {strides = array<i32>} : memref<2048xf32, #tpu.memory_space<vmem>>, vector<16xf32>,
    tpu.vector_store %arg6[%swap3A_250], %broadcast_in_dim3A_0 {strides = array<i32>} : memref<2048xf32, #tpu.memory_space<vmem>>, vector<16xf32>,
    %swap3A_252 = arith.constant 2000 : index
    %swap3A_253 = tpu.vector_load %arg6[%swap3A_252] {strides = array<i32>} : memref<2048xf32, #tpu.memory_space<vmem>>, vector<16xf32>,
    tpu.vector_store %arg6[%swap3A_252], %broadcast_in_dim3A_0 {strides = array<i32>} : memref<2048xf32, #tpu.memory_space<vmem>>, vector<16xf32>,
    %swap3A_254 = arith.constant 2016 : index
    %swap3A_255 = tpu.vector_load %arg6[%swap3A_254] {strides = array<i32>} : memref<2048xf32, #tpu.memory_space<vmem>>, vector<16xf32>,
    tpu.vector_store %arg6[%swap3A_254], %broadcast_in_dim3A_0 {strides = array<i32>} : memref<2048xf32, #tpu.memory_space<vmem>>, vector<16xf32>,
    %swap3A_256 = arith.constant 2032 : index
    %swap3A_257 = tpu.vector_load %arg6[%swap3A_256] {strides = array<i32>} : memref<2048xf32, #tpu.memory_space<vmem>>, vector<16xf32>,
    tpu.vector_store %arg6[%swap3A_256], %broadcast_in_dim3A_0 {strides = array<i32>} : memref<2048xf32, #tpu.memory_space<vmem>>, vector<16xf32>,
    %mul3A = arith.constant 256 : i32
    %mul3A_258 = arith.muli %arg1, %mul3A : i32
    "tpu.region"() ({
      %run_scoped3A = tpu.sem_alloc : memref<!tpu.dma_semaphore, #tpu.memory_space<semaphore_mem>>
      %dma_start3A = tpu.memref_slice %arg2[%mul3A_258] : memref<4096xi32, #tpu.memory_space<hbm>> -> memref<256xi32, #tpu.memory_space<hbm>>
      %dma_start3A_715 = tpu.memref_slice %arg2[%mul3A_258] : memref<4096xi32, #tpu.memory_space<hbm>> -> memref<256xi32, #tpu.memory_space<hbm>>
      tpu.enqueue_dma source(%dma_start3A_715 : memref<256xi32, #tpu.memory_space<hbm>>) target(%arg5 : memref<256xi32, #tpu.memory_space<vmem>>) target_semaphore(%run_scoped3A : memref<!tpu.dma_semaphore, #tpu.memory_space<semaphore_mem>>)
      %dma_wait3A = tpu.memref_slice %arg2[%mul3A_258] : memref<4096xi32, #tpu.memory_space<hbm>> -> memref<256xi32, #tpu.memory_space<hbm>>
      %dma_wait3A_716 = tpu.memref_slice %arg2[%mul3A_258] : memref<4096xi32, #tpu.memory_space<hbm>> -> memref<256xi32, #tpu.memory_space<hbm>>
      tpu.wait_dma2 semaphore(%run_scoped3A : memref<!tpu.dma_semaphore, #tpu.memory_space<semaphore_mem>>) src(%dma_wait3A_716 : memref<256xi32, #tpu.memory_space<hbm>>) dst(%arg5 : memref<256xi32, #tpu.memory_space<vmem>>)
      tpu.yield
    }) : () -> ()
    %broadcast_in_dim3A_259 = arith.constant 1.000000e+00 : f32
    %broadcast_in_dim3A_260 = vector.broadcast %broadcast_in_dim3A_259 : f32 to vector<16xf32>
    %mul3A_261 = arith.constant 128 : i32
    %mul3A_262 = vector.broadcast %mul3A_261 : i32 to vector<16xi32>
    %mul3A_263 = arith.muli %iota3A, %mul3A_262 : vector<16xi32>
    %get3A = arith.constant 0 : index
    %get3A_264 = tpu.vector_load %arg5[%get3A] {strides = array<i32>} : memref<256xi32, #tpu.memory_space<vmem>>, vector<16xi32>,
    %add3A = arith.addi %mul3A_263, %get3A_264 : vector<16xi32>
    tpu.vector_store_idx %arg6[%add3A], %broadcast_in_dim3A_260 {add = true} : memref<2048xf32, #tpu.memory_space<vmem>>[vector<16xi32>], vector<16xf32>,
    %get3A_265 = arith.constant 16 : index
    %get3A_266 = tpu.vector_load %arg5[%get3A_265] {strides = array<i32>} : memref<256xi32, #tpu.memory_space<vmem>>, vector<16xi32>,
    %add3A_267 = arith.addi %mul3A_263, %get3A_266 : vector<16xi32>
    tpu.vector_store_idx %arg6[%add3A_267], %broadcast_in_dim3A_260 {add = true} : memref<2048xf32, #tpu.memory_space<vmem>>[vector<16xi32>], vector<16xf32>,
    %get3A_268 = arith.constant 32 : index
    %get3A_269 = tpu.vector_load %arg5[%get3A_268] {strides = array<i32>} : memref<256xi32, #tpu.memory_space<vmem>>, vector<16xi32>,
    %add3A_270 = arith.addi %mul3A_263, %get3A_269 : vector<16xi32>
    tpu.vector_store_idx %arg6[%add3A_270], %broadcast_in_dim3A_260 {add = true} : memref<2048xf32, #tpu.memory_space<vmem>>[vector<16xi32>], vector<16xf32>,
    %get3A_271 = arith.constant 48 : index
    %get3A_272 = tpu.vector_load %arg5[%get3A_271] {strides = array<i32>} : memref<256xi32, #tpu.memory_space<vmem>>, vector<16xi32>,
    %add3A_273 = arith.addi %mul3A_263, %get3A_272 : vector<16xi32>
    tpu.vector_store_idx %arg6[%add3A_273], %broadcast_in_dim3A_260 {add = true} : memref<2048xf32, #tpu.memory_space<vmem>>[vector<16xi32>], vector<16xf32>,
    %get3A_274 = arith.constant 64 : index
    %get3A_275 = tpu.vector_load %arg5[%get3A_274] {strides = array<i32>} : memref<256xi32, #tpu.memory_space<vmem>>, vector<16xi32>,
    %add3A_276 = arith.addi %mul3A_263, %get3A_275 : vector<16xi32>
    tpu.vector_store_idx %arg6[%add3A_276], %broadcast_in_dim3A_260 {add = true} : memref<2048xf32, #tpu.memory_space<vmem>>[vector<16xi32>], vector<16xf32>,
    %get3A_277 = arith.constant 80 : index
    %get3A_278 = tpu.vector_load %arg5[%get3A_277] {strides = array<i32>} : memref<256xi32, #tpu.memory_space<vmem>>, vector<16xi32>,
    %add3A_279 = arith.addi %mul3A_263, %get3A_278 : vector<16xi32>
    tpu.vector_store_idx %arg6[%add3A_279], %broadcast_in_dim3A_260 {add = true} : memref<2048xf32, #tpu.memory_space<vmem>>[vector<16xi32>], vector<16xf32>,
    %get3A_280 = arith.constant 96 : index
    %get3A_281 = tpu.vector_load %arg5[%get3A_280] {strides = array<i32>} : memref<256xi32, #tpu.memory_space<vmem>>, vector<16xi32>,
    %add3A_282 = arith.addi %mul3A_263, %get3A_281 : vector<16xi32>
    tpu.vector_store_idx %arg6[%add3A_282], %broadcast_in_dim3A_260 {add = true} : memref<2048xf32, #tpu.memory_space<vmem>>[vector<16xi32>], vector<16xf32>,
    %get3A_283 = arith.constant 112 : index
    %get3A_284 = tpu.vector_load %arg5[%get3A_283] {strides = array<i32>} : memref<256xi32, #tpu.memory_space<vmem>>, vector<16xi32>,
    %add3A_285 = arith.addi %mul3A_263, %get3A_284 : vector<16xi32>
    tpu.vector_store_idx %arg6[%add3A_285], %broadcast_in_dim3A_260 {add = true} : memref<2048xf32, #tpu.memory_space<vmem>>[vector<16xi32>], vector<16xf32>,
    %get3A_286 = arith.constant 128 : index
    %get3A_287 = tpu.vector_load %arg5[%get3A_286] {strides = array<i32>} : memref<256xi32, #tpu.memory_space<vmem>>, vector<16xi32>,
    %add3A_288 = arith.addi %mul3A_263, %get3A_287 : vector<16xi32>
    tpu.vector_store_idx %arg6[%add3A_288], %broadcast_in_dim3A_260 {add = true} : memref<2048xf32, #tpu.memory_space<vmem>>[vector<16xi32>], vector<16xf32>,
    %get3A_289 = arith.constant 144 : index
    %get3A_290 = tpu.vector_load %arg5[%get3A_289] {strides = array<i32>} : memref<256xi32, #tpu.memory_space<vmem>>, vector<16xi32>,
    %add3A_291 = arith.addi %mul3A_263, %get3A_290 : vector<16xi32>
    tpu.vector_store_idx %arg6[%add3A_291], %broadcast_in_dim3A_260 {add = true} : memref<2048xf32, #tpu.memory_space<vmem>>[vector<16xi32>], vector<16xf32>,
    %get3A_292 = arith.constant 160 : index
    %get3A_293 = tpu.vector_load %arg5[%get3A_292] {strides = array<i32>} : memref<256xi32, #tpu.memory_space<vmem>>, vector<16xi32>,
    %add3A_294 = arith.addi %mul3A_263, %get3A_293 : vector<16xi32>
    tpu.vector_store_idx %arg6[%add3A_294], %broadcast_in_dim3A_260 {add = true} : memref<2048xf32, #tpu.memory_space<vmem>>[vector<16xi32>], vector<16xf32>,
    %get3A_295 = arith.constant 176 : index
    %get3A_296 = tpu.vector_load %arg5[%get3A_295] {strides = array<i32>} : memref<256xi32, #tpu.memory_space<vmem>>, vector<16xi32>,
    %add3A_297 = arith.addi %mul3A_263, %get3A_296 : vector<16xi32>
    tpu.vector_store_idx %arg6[%add3A_297], %broadcast_in_dim3A_260 {add = true} : memref<2048xf32, #tpu.memory_space<vmem>>[vector<16xi32>], vector<16xf32>,
    %get3A_298 = arith.constant 192 : index
    %get3A_299 = tpu.vector_load %arg5[%get3A_298] {strides = array<i32>} : memref<256xi32, #tpu.memory_space<vmem>>, vector<16xi32>,
    %add3A_300 = arith.addi %mul3A_263, %get3A_299 : vector<16xi32>
    tpu.vector_store_idx %arg6[%add3A_300], %broadcast_in_dim3A_260 {add = true} : memref<2048xf32, #tpu.memory_space<vmem>>[vector<16xi32>], vector<16xf32>,
    %get3A_301 = arith.constant 208 : index
    %get3A_302 = tpu.vector_load %arg5[%get3A_301] {strides = array<i32>} : memref<256xi32, #tpu.memory_space<vmem>>, vector<16xi32>,
    %add3A_303 = arith.addi %mul3A_263, %get3A_302 : vector<16xi32>
    tpu.vector_store_idx %arg6[%add3A_303], %broadcast_in_dim3A_260 {add = true} : memref<2048xf32, #tpu.memory_space<vmem>>[vector<16xi32>], vector<16xf32>,
    %get3A_304 = arith.constant 224 : index
    %get3A_305 = tpu.vector_load %arg5[%get3A_304] {strides = array<i32>} : memref<256xi32, #tpu.memory_space<vmem>>, vector<16xi32>,
    %add3A_306 = arith.addi %mul3A_263, %get3A_305 : vector<16xi32>
    tpu.vector_store_idx %arg6[%add3A_306], %broadcast_in_dim3A_260 {add = true} : memref<2048xf32, #tpu.memory_space<vmem>>[vector<16xi32>], vector<16xf32>,
    %get3A_307 = arith.constant 240 : index
    %get3A_308 = tpu.vector_load %arg5[%get3A_307] {strides = array<i32>} : memref<256xi32, #tpu.memory_space<vmem>>, vector<16xi32>,
    %add3A_309 = arith.addi %mul3A_263, %get3A_308 : vector<16xi32>
    tpu.vector_store_idx %arg6[%add3A_309], %broadcast_in_dim3A_260 {add = true} : memref<2048xf32, #tpu.memory_space<vmem>>[vector<16xi32>], vector<16xf32>,
    %get3A_310 = arith.constant 0 : index
    %get3A_311 = tpu.vector_load %arg6[%get3A_310] {strides = array<i32>} : memref<2048xf32, #tpu.memory_space<vmem>>, vector<16xf32>,
    %add3A_312 = arith.addf %broadcast_in_dim3A_0, %get3A_311 : vector<16xf32>
    %get3A_313 = arith.constant 128 : index
    %get3A_314 = tpu.vector_load %arg6[%get3A_313] {strides = array<i32>} : memref<2048xf32, #tpu.memory_space<vmem>>, vector<16xf32>,
    %add3A_315 = arith.addf %add3A_312, %get3A_314 : vector<16xf32>
    %get3A_316 = arith.constant 256 : index
    %get3A_317 = tpu.vector_load %arg6[%get3A_316] {strides = array<i32>} : memref<2048xf32, #tpu.memory_space<vmem>>, vector<16xf32>,
    %add3A_318 = arith.addf %add3A_315, %get3A_317 : vector<16xf32>
    %get3A_319 = arith.constant 384 : index
    %get3A_320 = tpu.vector_load %arg6[%get3A_319] {strides = array<i32>} : memref<2048xf32, #tpu.memory_space<vmem>>, vector<16xf32>,
    %add3A_321 = arith.addf %add3A_318, %get3A_320 : vector<16xf32>
    %get3A_322 = arith.constant 512 : index
    %get3A_323 = tpu.vector_load %arg6[%get3A_322] {strides = array<i32>} : memref<2048xf32, #tpu.memory_space<vmem>>, vector<16xf32>,
    %add3A_324 = arith.addf %add3A_321, %get3A_323 : vector<16xf32>
    %get3A_325 = arith.constant 640 : index
    %get3A_326 = tpu.vector_load %arg6[%get3A_325] {strides = array<i32>} : memref<2048xf32, #tpu.memory_space<vmem>>, vector<16xf32>,
    %add3A_327 = arith.addf %add3A_324, %get3A_326 : vector<16xf32>
    %get3A_328 = arith.constant 768 : index
    %get3A_329 = tpu.vector_load %arg6[%get3A_328] {strides = array<i32>} : memref<2048xf32, #tpu.memory_space<vmem>>, vector<16xf32>,
    %add3A_330 = arith.addf %add3A_327, %get3A_329 : vector<16xf32>
    %get3A_331 = arith.constant 896 : index
    %get3A_332 = tpu.vector_load %arg6[%get3A_331] {strides = array<i32>} : memref<2048xf32, #tpu.memory_space<vmem>>, vector<16xf32>,
    %add3A_333 = arith.addf %add3A_330, %get3A_332 : vector<16xf32>
    %get3A_334 = arith.constant 1024 : index
    %get3A_335 = tpu.vector_load %arg6[%get3A_334] {strides = array<i32>} : memref<2048xf32, #tpu.memory_space<vmem>>, vector<16xf32>,
    %add3A_336 = arith.addf %add3A_333, %get3A_335 : vector<16xf32>
    %get3A_337 = arith.constant 1152 : index
    %get3A_338 = tpu.vector_load %arg6[%get3A_337] {strides = array<i32>} : memref<2048xf32, #tpu.memory_space<vmem>>, vector<16xf32>,
    %add3A_339 = arith.addf %add3A_336, %get3A_338 : vector<16xf32>
    %get3A_340 = arith.constant 1280 : index
    %get3A_341 = tpu.vector_load %arg6[%get3A_340] {strides = array<i32>} : memref<2048xf32, #tpu.memory_space<vmem>>, vector<16xf32>,
    %add3A_342 = arith.addf %add3A_339, %get3A_341 : vector<16xf32>
    %get3A_343 = arith.constant 1408 : index
    %get3A_344 = tpu.vector_load %arg6[%get3A_343] {strides = array<i32>} : memref<2048xf32, #tpu.memory_space<vmem>>, vector<16xf32>,
    %add3A_345 = arith.addf %add3A_342, %get3A_344 : vector<16xf32>
    %get3A_346 = arith.constant 1536 : index
    %get3A_347 = tpu.vector_load %arg6[%get3A_346] {strides = array<i32>} : memref<2048xf32, #tpu.memory_space<vmem>>, vector<16xf32>,
    %add3A_348 = arith.addf %add3A_345, %get3A_347 : vector<16xf32>
    %get3A_349 = arith.constant 1664 : index
    %get3A_350 = tpu.vector_load %arg6[%get3A_349] {strides = array<i32>} : memref<2048xf32, #tpu.memory_space<vmem>>, vector<16xf32>,
    %add3A_351 = arith.addf %add3A_348, %get3A_350 : vector<16xf32>
    %get3A_352 = arith.constant 1792 : index
    %get3A_353 = tpu.vector_load %arg6[%get3A_352] {strides = array<i32>} : memref<2048xf32, #tpu.memory_space<vmem>>, vector<16xf32>,
    %add3A_354 = arith.addf %add3A_351, %get3A_353 : vector<16xf32>
    %get3A_355 = arith.constant 1920 : index
    %get3A_356 = tpu.vector_load %arg6[%get3A_355] {strides = array<i32>} : memref<2048xf32, #tpu.memory_space<vmem>>, vector<16xf32>,
    %add3A_357 = arith.addf %add3A_354, %get3A_356 : vector<16xf32>
    %swap3A_358 = arith.constant 0 : index
    %swap3A_359 = tpu.vector_load %arg7[%swap3A_358] {strides = array<i32>} : memref<128xf32, #tpu.memory_space<vmem>>, vector<16xf32>,
    tpu.vector_store %arg7[%swap3A_358], %add3A_357 {strides = array<i32>} : memref<128xf32, #tpu.memory_space<vmem>>, vector<16xf32>,
    %get3A_360 = arith.constant 16 : index
    %get3A_361 = tpu.vector_load %arg6[%get3A_360] {strides = array<i32>} : memref<2048xf32, #tpu.memory_space<vmem>>, vector<16xf32>,
    %add3A_362 = arith.addf %broadcast_in_dim3A_0, %get3A_361 : vector<16xf32>
    %get3A_363 = arith.constant 144 : index
    %get3A_364 = tpu.vector_load %arg6[%get3A_363] {strides = array<i32>} : memref<2048xf32, #tpu.memory_space<vmem>>, vector<16xf32>,
    %add3A_365 = arith.addf %add3A_362, %get3A_364 : vector<16xf32>
    %get3A_366 = arith.constant 272 : index
    %get3A_367 = tpu.vector_load %arg6[%get3A_366] {strides = array<i32>} : memref<2048xf32, #tpu.memory_space<vmem>>, vector<16xf32>,
    %add3A_368 = arith.addf %add3A_365, %get3A_367 : vector<16xf32>
    %get3A_369 = arith.constant 400 : index
    %get3A_370 = tpu.vector_load %arg6[%get3A_369] {strides = array<i32>} : memref<2048xf32, #tpu.memory_space<vmem>>, vector<16xf32>,
    %add3A_371 = arith.addf %add3A_368, %get3A_370 : vector<16xf32>
    %get3A_372 = arith.constant 528 : index
    %get3A_373 = tpu.vector_load %arg6[%get3A_372] {strides = array<i32>} : memref<2048xf32, #tpu.memory_space<vmem>>, vector<16xf32>,
    %add3A_374 = arith.addf %add3A_371, %get3A_373 : vector<16xf32>
    %get3A_375 = arith.constant 656 : index
    %get3A_376 = tpu.vector_load %arg6[%get3A_375] {strides = array<i32>} : memref<2048xf32, #tpu.memory_space<vmem>>, vector<16xf32>,
    %add3A_377 = arith.addf %add3A_374, %get3A_376 : vector<16xf32>
    %get3A_378 = arith.constant 784 : index
    %get3A_379 = tpu.vector_load %arg6[%get3A_378] {strides = array<i32>} : memref<2048xf32, #tpu.memory_space<vmem>>, vector<16xf32>,
    %add3A_380 = arith.addf %add3A_377, %get3A_379 : vector<16xf32>
    %get3A_381 = arith.constant 912 : index
    %get3A_382 = tpu.vector_load %arg6[%get3A_381] {strides = array<i32>} : memref<2048xf32, #tpu.memory_space<vmem>>, vector<16xf32>,
    %add3A_383 = arith.addf %add3A_380, %get3A_382 : vector<16xf32>
    %get3A_384 = arith.constant 1040 : index
    %get3A_385 = tpu.vector_load %arg6[%get3A_384] {strides = array<i32>} : memref<2048xf32, #tpu.memory_space<vmem>>, vector<16xf32>,
    %add3A_386 = arith.addf %add3A_383, %get3A_385 : vector<16xf32>
    %get3A_387 = arith.constant 1168 : index
    %get3A_388 = tpu.vector_load %arg6[%get3A_387] {strides = array<i32>} : memref<2048xf32, #tpu.memory_space<vmem>>, vector<16xf32>,
    %add3A_389 = arith.addf %add3A_386, %get3A_388 : vector<16xf32>
    %get3A_390 = arith.constant 1296 : index
    %get3A_391 = tpu.vector_load %arg6[%get3A_390] {strides = array<i32>} : memref<2048xf32, #tpu.memory_space<vmem>>, vector<16xf32>,
    %add3A_392 = arith.addf %add3A_389, %get3A_391 : vector<16xf32>
    %get3A_393 = arith.constant 1424 : index
    %get3A_394 = tpu.vector_load %arg6[%get3A_393] {strides = array<i32>} : memref<2048xf32, #tpu.memory_space<vmem>>, vector<16xf32>,
    %add3A_395 = arith.addf %add3A_392, %get3A_394 : vector<16xf32>
    %get3A_396 = arith.constant 1552 : index
    %get3A_397 = tpu.vector_load %arg6[%get3A_396] {strides = array<i32>} : memref<2048xf32, #tpu.memory_space<vmem>>, vector<16xf32>,
    %add3A_398 = arith.addf %add3A_395, %get3A_397 : vector<16xf32>
    %get3A_399 = arith.constant 1680 : index
    %get3A_400 = tpu.vector_load %arg6[%get3A_399] {strides = array<i32>} : memref<2048xf32, #tpu.memory_space<vmem>>, vector<16xf32>,
    %add3A_401 = arith.addf %add3A_398, %get3A_400 : vector<16xf32>
    %get3A_402 = arith.constant 1808 : index
    %get3A_403 = tpu.vector_load %arg6[%get3A_402] {strides = array<i32>} : memref<2048xf32, #tpu.memory_space<vmem>>, vector<16xf32>,
    %add3A_404 = arith.addf %add3A_401, %get3A_403 : vector<16xf32>
    %get3A_405 = arith.constant 1936 : index
    %get3A_406 = tpu.vector_load %arg6[%get3A_405] {strides = array<i32>} : memref<2048xf32, #tpu.memory_space<vmem>>, vector<16xf32>,
    %add3A_407 = arith.addf %add3A_404, %get3A_406 : vector<16xf32>
    %swap3A_408 = arith.constant 16 : index
    %swap3A_409 = tpu.vector_load %arg7[%swap3A_408] {strides = array<i32>} : memref<128xf32, #tpu.memory_space<vmem>>, vector<16xf32>,
    tpu.vector_store %arg7[%swap3A_408], %add3A_407 {strides = array<i32>} : memref<128xf32, #tpu.memory_space<vmem>>, vector<16xf32>,
    %get3A_410 = arith.constant 32 : index
    %get3A_411 = tpu.vector_load %arg6[%get3A_410] {strides = array<i32>} : memref<2048xf32, #tpu.memory_space<vmem>>, vector<16xf32>,
    %add3A_412 = arith.addf %broadcast_in_dim3A_0, %get3A_411 : vector<16xf32>
    %get3A_413 = arith.constant 160 : index
    %get3A_414 = tpu.vector_load %arg6[%get3A_413] {strides = array<i32>} : memref<2048xf32, #tpu.memory_space<vmem>>, vector<16xf32>,
    %add3A_415 = arith.addf %add3A_412, %get3A_414 : vector<16xf32>
    %get3A_416 = arith.constant 288 : index
    %get3A_417 = tpu.vector_load %arg6[%get3A_416] {strides = array<i32>} : memref<2048xf32, #tpu.memory_space<vmem>>, vector<16xf32>,
    %add3A_418 = arith.addf %add3A_415, %get3A_417 : vector<16xf32>
    %get3A_419 = arith.constant 416 : index
    %get3A_420 = tpu.vector_load %arg6[%get3A_419] {strides = array<i32>} : memref<2048xf32, #tpu.memory_space<vmem>>, vector<16xf32>,
    %add3A_421 = arith.addf %add3A_418, %get3A_420 : vector<16xf32>
    %get3A_422 = arith.constant 544 : index
    %get3A_423 = tpu.vector_load %arg6[%get3A_422] {strides = array<i32>} : memref<2048xf32, #tpu.memory_space<vmem>>, vector<16xf32>,
    %add3A_424 = arith.addf %add3A_421, %get3A_423 : vector<16xf32>
    %get3A_425 = arith.constant 672 : index
    %get3A_426 = tpu.vector_load %arg6[%get3A_425] {strides = array<i32>} : memref<2048xf32, #tpu.memory_space<vmem>>, vector<16xf32>,
    %add3A_427 = arith.addf %add3A_424, %get3A_426 : vector<16xf32>
    %get3A_428 = arith.constant 800 : index
    %get3A_429 = tpu.vector_load %arg6[%get3A_428] {strides = array<i32>} : memref<2048xf32, #tpu.memory_space<vmem>>, vector<16xf32>,
    %add3A_430 = arith.addf %add3A_427, %get3A_429 : vector<16xf32>
    %get3A_431 = arith.constant 928 : index
    %get3A_432 = tpu.vector_load %arg6[%get3A_431] {strides = array<i32>} : memref<2048xf32, #tpu.memory_space<vmem>>, vector<16xf32>,
    %add3A_433 = arith.addf %add3A_430, %get3A_432 : vector<16xf32>
    %get3A_434 = arith.constant 1056 : index
    %get3A_435 = tpu.vector_load %arg6[%get3A_434] {strides = array<i32>} : memref<2048xf32, #tpu.memory_space<vmem>>, vector<16xf32>,
    %add3A_436 = arith.addf %add3A_433, %get3A_435 : vector<16xf32>
    %get3A_437 = arith.constant 1184 : index
    %get3A_438 = tpu.vector_load %arg6[%get3A_437] {strides = array<i32>} : memref<2048xf32, #tpu.memory_space<vmem>>, vector<16xf32>,
    %add3A_439 = arith.addf %add3A_436, %get3A_438 : vector<16xf32>
    %get3A_440 = arith.constant 1312 : index
    %get3A_441 = tpu.vector_load %arg6[%get3A_440] {strides = array<i32>} : memref<2048xf32, #tpu.memory_space<vmem>>, vector<16xf32>,
    %add3A_442 = arith.addf %add3A_439, %get3A_441 : vector<16xf32>
    %get3A_443 = arith.constant 1440 : index
    %get3A_444 = tpu.vector_load %arg6[%get3A_443] {strides = array<i32>} : memref<2048xf32, #tpu.memory_space<vmem>>, vector<16xf32>,
    %add3A_445 = arith.addf %add3A_442, %get3A_444 : vector<16xf32>
    %get3A_446 = arith.constant 1568 : index
    %get3A_447 = tpu.vector_load %arg6[%get3A_446] {strides = array<i32>} : memref<2048xf32, #tpu.memory_space<vmem>>, vector<16xf32>,
    %add3A_448 = arith.addf %add3A_445, %get3A_447 : vector<16xf32>
    %get3A_449 = arith.constant 1696 : index
    %get3A_450 = tpu.vector_load %arg6[%get3A_449] {strides = array<i32>} : memref<2048xf32, #tpu.memory_space<vmem>>, vector<16xf32>,
    %add3A_451 = arith.addf %add3A_448, %get3A_450 : vector<16xf32>
    %get3A_452 = arith.constant 1824 : index
    %get3A_453 = tpu.vector_load %arg6[%get3A_452] {strides = array<i32>} : memref<2048xf32, #tpu.memory_space<vmem>>, vector<16xf32>,
    %add3A_454 = arith.addf %add3A_451, %get3A_453 : vector<16xf32>
    %get3A_455 = arith.constant 1952 : index
    %get3A_456 = tpu.vector_load %arg6[%get3A_455] {strides = array<i32>} : memref<2048xf32, #tpu.memory_space<vmem>>, vector<16xf32>,
    %add3A_457 = arith.addf %add3A_454, %get3A_456 : vector<16xf32>
    %swap3A_458 = arith.constant 32 : index
    %swap3A_459 = tpu.vector_load %arg7[%swap3A_458] {strides = array<i32>} : memref<128xf32, #tpu.memory_space<vmem>>, vector<16xf32>,
    tpu.vector_store %arg7[%swap3A_458], %add3A_457 {strides = array<i32>} : memref<128xf32, #tpu.memory_space<vmem>>, vector<16xf32>,
    %get3A_460 = arith.constant 48 : index
    %get3A_461 = tpu.vector_load %arg6[%get3A_460] {strides = array<i32>} : memref<2048xf32, #tpu.memory_space<vmem>>, vector<16xf32>,
    %add3A_462 = arith.addf %broadcast_in_dim3A_0, %get3A_461 : vector<16xf32>
    %get3A_463 = arith.constant 176 : index
    %get3A_464 = tpu.vector_load %arg6[%get3A_463] {strides = array<i32>} : memref<2048xf32, #tpu.memory_space<vmem>>, vector<16xf32>,
    %add3A_465 = arith.addf %add3A_462, %get3A_464 : vector<16xf32>
    %get3A_466 = arith.constant 304 : index
    %get3A_467 = tpu.vector_load %arg6[%get3A_466] {strides = array<i32>} : memref<2048xf32, #tpu.memory_space<vmem>>, vector<16xf32>,
    %add3A_468 = arith.addf %add3A_465, %get3A_467 : vector<16xf32>
    %get3A_469 = arith.constant 432 : index
    %get3A_470 = tpu.vector_load %arg6[%get3A_469] {strides = array<i32>} : memref<2048xf32, #tpu.memory_space<vmem>>, vector<16xf32>,
    %add3A_471 = arith.addf %add3A_468, %get3A_470 : vector<16xf32>
    %get3A_472 = arith.constant 560 : index
    %get3A_473 = tpu.vector_load %arg6[%get3A_472] {strides = array<i32>} : memref<2048xf32, #tpu.memory_space<vmem>>, vector<16xf32>,
    %add3A_474 = arith.addf %add3A_471, %get3A_473 : vector<16xf32>
    %get3A_475 = arith.constant 688 : index
    %get3A_476 = tpu.vector_load %arg6[%get3A_475] {strides = array<i32>} : memref<2048xf32, #tpu.memory_space<vmem>>, vector<16xf32>,
    %add3A_477 = arith.addf %add3A_474, %get3A_476 : vector<16xf32>
    %get3A_478 = arith.constant 816 : index
    %get3A_479 = tpu.vector_load %arg6[%get3A_478] {strides = array<i32>} : memref<2048xf32, #tpu.memory_space<vmem>>, vector<16xf32>,
    %add3A_480 = arith.addf %add3A_477, %get3A_479 : vector<16xf32>
    %get3A_481 = arith.constant 944 : index
    %get3A_482 = tpu.vector_load %arg6[%get3A_481] {strides = array<i32>} : memref<2048xf32, #tpu.memory_space<vmem>>, vector<16xf32>,
    %add3A_483 = arith.addf %add3A_480, %get3A_482 : vector<16xf32>
    %get3A_484 = arith.constant 1072 : index
    %get3A_485 = tpu.vector_load %arg6[%get3A_484] {strides = array<i32>} : memref<2048xf32, #tpu.memory_space<vmem>>, vector<16xf32>,
    %add3A_486 = arith.addf %add3A_483, %get3A_485 : vector<16xf32>
    %get3A_487 = arith.constant 1200 : index
    %get3A_488 = tpu.vector_load %arg6[%get3A_487] {strides = array<i32>} : memref<2048xf32, #tpu.memory_space<vmem>>, vector<16xf32>,
    %add3A_489 = arith.addf %add3A_486, %get3A_488 : vector<16xf32>
    %get3A_490 = arith.constant 1328 : index
    %get3A_491 = tpu.vector_load %arg6[%get3A_490] {strides = array<i32>} : memref<2048xf32, #tpu.memory_space<vmem>>, vector<16xf32>,
    %add3A_492 = arith.addf %add3A_489, %get3A_491 : vector<16xf32>
    %get3A_493 = arith.constant 1456 : index
    %get3A_494 = tpu.vector_load %arg6[%get3A_493] {strides = array<i32>} : memref<2048xf32, #tpu.memory_space<vmem>>, vector<16xf32>,
    %add3A_495 = arith.addf %add3A_492, %get3A_494 : vector<16xf32>
    %get3A_496 = arith.constant 1584 : index
    %get3A_497 = tpu.vector_load %arg6[%get3A_496] {strides = array<i32>} : memref<2048xf32, #tpu.memory_space<vmem>>, vector<16xf32>,
    %add3A_498 = arith.addf %add3A_495, %get3A_497 : vector<16xf32>
    %get3A_499 = arith.constant 1712 : index
    %get3A_500 = tpu.vector_load %arg6[%get3A_499] {strides = array<i32>} : memref<2048xf32, #tpu.memory_space<vmem>>, vector<16xf32>,
    %add3A_501 = arith.addf %add3A_498, %get3A_500 : vector<16xf32>
    %get3A_502 = arith.constant 1840 : index
    %get3A_503 = tpu.vector_load %arg6[%get3A_502] {strides = array<i32>} : memref<2048xf32, #tpu.memory_space<vmem>>, vector<16xf32>,
    %add3A_504 = arith.addf %add3A_501, %get3A_503 : vector<16xf32>
    %get3A_505 = arith.constant 1968 : index
    %get3A_506 = tpu.vector_load %arg6[%get3A_505] {strides = array<i32>} : memref<2048xf32, #tpu.memory_space<vmem>>, vector<16xf32>,
    %add3A_507 = arith.addf %add3A_504, %get3A_506 : vector<16xf32>
    %swap3A_508 = arith.constant 48 : index
    %swap3A_509 = tpu.vector_load %arg7[%swap3A_508] {strides = array<i32>} : memref<128xf32, #tpu.memory_space<vmem>>, vector<16xf32>,
    tpu.vector_store %arg7[%swap3A_508], %add3A_507 {strides = array<i32>} : memref<128xf32, #tpu.memory_space<vmem>>, vector<16xf32>,
    %get3A_510 = arith.constant 64 : index
    %get3A_511 = tpu.vector_load %arg6[%get3A_510] {strides = array<i32>} : memref<2048xf32, #tpu.memory_space<vmem>>, vector<16xf32>,
    %add3A_512 = arith.addf %broadcast_in_dim3A_0, %get3A_511 : vector<16xf32>
    %get3A_513 = arith.constant 192 : index
    %get3A_514 = tpu.vector_load %arg6[%get3A_513] {strides = array<i32>} : memref<2048xf32, #tpu.memory_space<vmem>>, vector<16xf32>,
    %add3A_515 = arith.addf %add3A_512, %get3A_514 : vector<16xf32>
    %get3A_516 = arith.constant 320 : index
    %get3A_517 = tpu.vector_load %arg6[%get3A_516] {strides = array<i32>} : memref<2048xf32, #tpu.memory_space<vmem>>, vector<16xf32>,
    %add3A_518 = arith.addf %add3A_515, %get3A_517 : vector<16xf32>
    %get3A_519 = arith.constant 448 : index
    %get3A_520 = tpu.vector_load %arg6[%get3A_519] {strides = array<i32>} : memref<2048xf32, #tpu.memory_space<vmem>>, vector<16xf32>,
    %add3A_521 = arith.addf %add3A_518, %get3A_520 : vector<16xf32>
    %get3A_522 = arith.constant 576 : index
    %get3A_523 = tpu.vector_load %arg6[%get3A_522] {strides = array<i32>} : memref<2048xf32, #tpu.memory_space<vmem>>, vector<16xf32>,
    %add3A_524 = arith.addf %add3A_521, %get3A_523 : vector<16xf32>
    %get3A_525 = arith.constant 704 : index
    %get3A_526 = tpu.vector_load %arg6[%get3A_525] {strides = array<i32>} : memref<2048xf32, #tpu.memory_space<vmem>>, vector<16xf32>,
    %add3A_527 = arith.addf %add3A_524, %get3A_526 : vector<16xf32>
    %get3A_528 = arith.constant 832 : index
    %get3A_529 = tpu.vector_load %arg6[%get3A_528] {strides = array<i32>} : memref<2048xf32, #tpu.memory_space<vmem>>, vector<16xf32>,
    %add3A_530 = arith.addf %add3A_527, %get3A_529 : vector<16xf32>
    %get3A_531 = arith.constant 960 : index
    %get3A_532 = tpu.vector_load %arg6[%get3A_531] {strides = array<i32>} : memref<2048xf32, #tpu.memory_space<vmem>>, vector<16xf32>,
    %add3A_533 = arith.addf %add3A_530, %get3A_532 : vector<16xf32>
    %get3A_534 = arith.constant 1088 : index
    %get3A_535 = tpu.vector_load %arg6[%get3A_534] {strides = array<i32>} : memref<2048xf32, #tpu.memory_space<vmem>>, vector<16xf32>,
    %add3A_536 = arith.addf %add3A_533, %get3A_535 : vector<16xf32>
    %get3A_537 = arith.constant 1216 : index
    %get3A_538 = tpu.vector_load %arg6[%get3A_537] {strides = array<i32>} : memref<2048xf32, #tpu.memory_space<vmem>>, vector<16xf32>,
    %add3A_539 = arith.addf %add3A_536, %get3A_538 : vector<16xf32>
    %get3A_540 = arith.constant 1344 : index
    %get3A_541 = tpu.vector_load %arg6[%get3A_540] {strides = array<i32>} : memref<2048xf32, #tpu.memory_space<vmem>>, vector<16xf32>,
    %add3A_542 = arith.addf %add3A_539, %get3A_541 : vector<16xf32>
    %get3A_543 = arith.constant 1472 : index
    %get3A_544 = tpu.vector_load %arg6[%get3A_543] {strides = array<i32>} : memref<2048xf32, #tpu.memory_space<vmem>>, vector<16xf32>,
    %add3A_545 = arith.addf %add3A_542, %get3A_544 : vector<16xf32>
    %get3A_546 = arith.constant 1600 : index
    %get3A_547 = tpu.vector_load %arg6[%get3A_546] {strides = array<i32>} : memref<2048xf32, #tpu.memory_space<vmem>>, vector<16xf32>,
    %add3A_548 = arith.addf %add3A_545, %get3A_547 : vector<16xf32>
    %get3A_549 = arith.constant 1728 : index
    %get3A_550 = tpu.vector_load %arg6[%get3A_549] {strides = array<i32>} : memref<2048xf32, #tpu.memory_space<vmem>>, vector<16xf32>,
    %add3A_551 = arith.addf %add3A_548, %get3A_550 : vector<16xf32>
    %get3A_552 = arith.constant 1856 : index
    %get3A_553 = tpu.vector_load %arg6[%get3A_552] {strides = array<i32>} : memref<2048xf32, #tpu.memory_space<vmem>>, vector<16xf32>,
    %add3A_554 = arith.addf %add3A_551, %get3A_553 : vector<16xf32>
    %get3A_555 = arith.constant 1984 : index
    %get3A_556 = tpu.vector_load %arg6[%get3A_555] {strides = array<i32>} : memref<2048xf32, #tpu.memory_space<vmem>>, vector<16xf32>,
    %add3A_557 = arith.addf %add3A_554, %get3A_556 : vector<16xf32>
    %swap3A_558 = arith.constant 64 : index
    %swap3A_559 = tpu.vector_load %arg7[%swap3A_558] {strides = array<i32>} : memref<128xf32, #tpu.memory_space<vmem>>, vector<16xf32>,
    tpu.vector_store %arg7[%swap3A_558], %add3A_557 {strides = array<i32>} : memref<128xf32, #tpu.memory_space<vmem>>, vector<16xf32>,
    %get3A_560 = arith.constant 80 : index
    %get3A_561 = tpu.vector_load %arg6[%get3A_560] {strides = array<i32>} : memref<2048xf32, #tpu.memory_space<vmem>>, vector<16xf32>,
    %add3A_562 = arith.addf %broadcast_in_dim3A_0, %get3A_561 : vector<16xf32>
    %get3A_563 = arith.constant 208 : index
    %get3A_564 = tpu.vector_load %arg6[%get3A_563] {strides = array<i32>} : memref<2048xf32, #tpu.memory_space<vmem>>, vector<16xf32>,
    %add3A_565 = arith.addf %add3A_562, %get3A_564 : vector<16xf32>
    %get3A_566 = arith.constant 336 : index
    %get3A_567 = tpu.vector_load %arg6[%get3A_566] {strides = array<i32>} : memref<2048xf32, #tpu.memory_space<vmem>>, vector<16xf32>,
    %add3A_568 = arith.addf %add3A_565, %get3A_567 : vector<16xf32>
    %get3A_569 = arith.constant 464 : index
    %get3A_570 = tpu.vector_load %arg6[%get3A_569] {strides = array<i32>} : memref<2048xf32, #tpu.memory_space<vmem>>, vector<16xf32>,
    %add3A_571 = arith.addf %add3A_568, %get3A_570 : vector<16xf32>
    %get3A_572 = arith.constant 592 : index
    %get3A_573 = tpu.vector_load %arg6[%get3A_572] {strides = array<i32>} : memref<2048xf32, #tpu.memory_space<vmem>>, vector<16xf32>,
    %add3A_574 = arith.addf %add3A_571, %get3A_573 : vector<16xf32>
    %get3A_575 = arith.constant 720 : index
    %get3A_576 = tpu.vector_load %arg6[%get3A_575] {strides = array<i32>} : memref<2048xf32, #tpu.memory_space<vmem>>, vector<16xf32>,
    %add3A_577 = arith.addf %add3A_574, %get3A_576 : vector<16xf32>
    %get3A_578 = arith.constant 848 : index
    %get3A_579 = tpu.vector_load %arg6[%get3A_578] {strides = array<i32>} : memref<2048xf32, #tpu.memory_space<vmem>>, vector<16xf32>,
    %add3A_580 = arith.addf %add3A_577, %get3A_579 : vector<16xf32>
    %get3A_581 = arith.constant 976 : index
    %get3A_582 = tpu.vector_load %arg6[%get3A_581] {strides = array<i32>} : memref<2048xf32, #tpu.memory_space<vmem>>, vector<16xf32>,
    %add3A_583 = arith.addf %add3A_580, %get3A_582 : vector<16xf32>
    %get3A_584 = arith.constant 1104 : index
    %get3A_585 = tpu.vector_load %arg6[%get3A_584] {strides = array<i32>} : memref<2048xf32, #tpu.memory_space<vmem>>, vector<16xf32>,
    %add3A_586 = arith.addf %add3A_583, %get3A_585 : vector<16xf32>
    %get3A_587 = arith.constant 1232 : index
    %get3A_588 = tpu.vector_load %arg6[%get3A_587] {strides = array<i32>} : memref<2048xf32, #tpu.memory_space<vmem>>, vector<16xf32>,
    %add3A_589 = arith.addf %add3A_586, %get3A_588 : vector<16xf32>
    %get3A_590 = arith.constant 1360 : index
    %get3A_591 = tpu.vector_load %arg6[%get3A_590] {strides = array<i32>} : memref<2048xf32, #tpu.memory_space<vmem>>, vector<16xf32>,
    %add3A_592 = arith.addf %add3A_589, %get3A_591 : vector<16xf32>
    %get3A_593 = arith.constant 1488 : index
    %get3A_594 = tpu.vector_load %arg6[%get3A_593] {strides = array<i32>} : memref<2048xf32, #tpu.memory_space<vmem>>, vector<16xf32>,
    %add3A_595 = arith.addf %add3A_592, %get3A_594 : vector<16xf32>
    %get3A_596 = arith.constant 1616 : index
    %get3A_597 = tpu.vector_load %arg6[%get3A_596] {strides = array<i32>} : memref<2048xf32, #tpu.memory_space<vmem>>, vector<16xf32>,
    %add3A_598 = arith.addf %add3A_595, %get3A_597 : vector<16xf32>
    %get3A_599 = arith.constant 1744 : index
    %get3A_600 = tpu.vector_load %arg6[%get3A_599] {strides = array<i32>} : memref<2048xf32, #tpu.memory_space<vmem>>, vector<16xf32>,
    %add3A_601 = arith.addf %add3A_598, %get3A_600 : vector<16xf32>
    %get3A_602 = arith.constant 1872 : index
    %get3A_603 = tpu.vector_load %arg6[%get3A_602] {strides = array<i32>} : memref<2048xf32, #tpu.memory_space<vmem>>, vector<16xf32>,
    %add3A_604 = arith.addf %add3A_601, %get3A_603 : vector<16xf32>
    %get3A_605 = arith.constant 2000 : index
    %get3A_606 = tpu.vector_load %arg6[%get3A_605] {strides = array<i32>} : memref<2048xf32, #tpu.memory_space<vmem>>, vector<16xf32>,
    %add3A_607 = arith.addf %add3A_604, %get3A_606 : vector<16xf32>
    %swap3A_608 = arith.constant 80 : index
    %swap3A_609 = tpu.vector_load %arg7[%swap3A_608] {strides = array<i32>} : memref<128xf32, #tpu.memory_space<vmem>>, vector<16xf32>,
    tpu.vector_store %arg7[%swap3A_608], %add3A_607 {strides = array<i32>} : memref<128xf32, #tpu.memory_space<vmem>>, vector<16xf32>,
    %get3A_610 = arith.constant 96 : index
    %get3A_611 = tpu.vector_load %arg6[%get3A_610] {strides = array<i32>} : memref<2048xf32, #tpu.memory_space<vmem>>, vector<16xf32>,
    %add3A_612 = arith.addf %broadcast_in_dim3A_0, %get3A_611 : vector<16xf32>
    %get3A_613 = arith.constant 224 : index
    %get3A_614 = tpu.vector_load %arg6[%get3A_613] {strides = array<i32>} : memref<2048xf32, #tpu.memory_space<vmem>>, vector<16xf32>,
    %add3A_615 = arith.addf %add3A_612, %get3A_614 : vector<16xf32>
    %get3A_616 = arith.constant 352 : index
    %get3A_617 = tpu.vector_load %arg6[%get3A_616] {strides = array<i32>} : memref<2048xf32, #tpu.memory_space<vmem>>, vector<16xf32>,
    %add3A_618 = arith.addf %add3A_615, %get3A_617 : vector<16xf32>
    %get3A_619 = arith.constant 480 : index
    %get3A_620 = tpu.vector_load %arg6[%get3A_619] {strides = array<i32>} : memref<2048xf32, #tpu.memory_space<vmem>>, vector<16xf32>,
    %add3A_621 = arith.addf %add3A_618, %get3A_620 : vector<16xf32>
    %get3A_622 = arith.constant 608 : index
    %get3A_623 = tpu.vector_load %arg6[%get3A_622] {strides = array<i32>} : memref<2048xf32, #tpu.memory_space<vmem>>, vector<16xf32>,
    %add3A_624 = arith.addf %add3A_621, %get3A_623 : vector<16xf32>
    %get3A_625 = arith.constant 736 : index
    %get3A_626 = tpu.vector_load %arg6[%get3A_625] {strides = array<i32>} : memref<2048xf32, #tpu.memory_space<vmem>>, vector<16xf32>,
    %add3A_627 = arith.addf %add3A_624, %get3A_626 : vector<16xf32>
    %get3A_628 = arith.constant 864 : index
    %get3A_629 = tpu.vector_load %arg6[%get3A_628] {strides = array<i32>} : memref<2048xf32, #tpu.memory_space<vmem>>, vector<16xf32>,
    %add3A_630 = arith.addf %add3A_627, %get3A_629 : vector<16xf32>
    %get3A_631 = arith.constant 992 : index
    %get3A_632 = tpu.vector_load %arg6[%get3A_631] {strides = array<i32>} : memref<2048xf32, #tpu.memory_space<vmem>>, vector<16xf32>,
    %add3A_633 = arith.addf %add3A_630, %get3A_632 : vector<16xf32>
    %get3A_634 = arith.constant 1120 : index
    %get3A_635 = tpu.vector_load %arg6[%get3A_634] {strides = array<i32>} : memref<2048xf32, #tpu.memory_space<vmem>>, vector<16xf32>,
    %add3A_636 = arith.addf %add3A_633, %get3A_635 : vector<16xf32>
    %get3A_637 = arith.constant 1248 : index
    %get3A_638 = tpu.vector_load %arg6[%get3A_637] {strides = array<i32>} : memref<2048xf32, #tpu.memory_space<vmem>>, vector<16xf32>,
    %add3A_639 = arith.addf %add3A_636, %get3A_638 : vector<16xf32>
    %get3A_640 = arith.constant 1376 : index
    %get3A_641 = tpu.vector_load %arg6[%get3A_640] {strides = array<i32>} : memref<2048xf32, #tpu.memory_space<vmem>>, vector<16xf32>,
    %add3A_642 = arith.addf %add3A_639, %get3A_641 : vector<16xf32>
    %get3A_643 = arith.constant 1504 : index
    %get3A_644 = tpu.vector_load %arg6[%get3A_643] {strides = array<i32>} : memref<2048xf32, #tpu.memory_space<vmem>>, vector<16xf32>,
    %add3A_645 = arith.addf %add3A_642, %get3A_644 : vector<16xf32>
    %get3A_646 = arith.constant 1632 : index
    %get3A_647 = tpu.vector_load %arg6[%get3A_646] {strides = array<i32>} : memref<2048xf32, #tpu.memory_space<vmem>>, vector<16xf32>,
    %add3A_648 = arith.addf %add3A_645, %get3A_647 : vector<16xf32>
    %get3A_649 = arith.constant 1760 : index
    %get3A_650 = tpu.vector_load %arg6[%get3A_649] {strides = array<i32>} : memref<2048xf32, #tpu.memory_space<vmem>>, vector<16xf32>,
    %add3A_651 = arith.addf %add3A_648, %get3A_650 : vector<16xf32>
    %get3A_652 = arith.constant 1888 : index
    %get3A_653 = tpu.vector_load %arg6[%get3A_652] {strides = array<i32>} : memref<2048xf32, #tpu.memory_space<vmem>>, vector<16xf32>,
    %add3A_654 = arith.addf %add3A_651, %get3A_653 : vector<16xf32>
    %get3A_655 = arith.constant 2016 : index
    %get3A_656 = tpu.vector_load %arg6[%get3A_655] {strides = array<i32>} : memref<2048xf32, #tpu.memory_space<vmem>>, vector<16xf32>,
    %add3A_657 = arith.addf %add3A_654, %get3A_656 : vector<16xf32>
    %swap3A_658 = arith.constant 96 : index
    %swap3A_659 = tpu.vector_load %arg7[%swap3A_658] {strides = array<i32>} : memref<128xf32, #tpu.memory_space<vmem>>, vector<16xf32>,
    tpu.vector_store %arg7[%swap3A_658], %add3A_657 {strides = array<i32>} : memref<128xf32, #tpu.memory_space<vmem>>, vector<16xf32>,
    %get3A_660 = arith.constant 112 : index
    %get3A_661 = tpu.vector_load %arg6[%get3A_660] {strides = array<i32>} : memref<2048xf32, #tpu.memory_space<vmem>>, vector<16xf32>,
    %add3A_662 = arith.addf %broadcast_in_dim3A_0, %get3A_661 : vector<16xf32>
    %get3A_663 = arith.constant 240 : index
    %get3A_664 = tpu.vector_load %arg6[%get3A_663] {strides = array<i32>} : memref<2048xf32, #tpu.memory_space<vmem>>, vector<16xf32>,
    %add3A_665 = arith.addf %add3A_662, %get3A_664 : vector<16xf32>
    %get3A_666 = arith.constant 368 : index
    %get3A_667 = tpu.vector_load %arg6[%get3A_666] {strides = array<i32>} : memref<2048xf32, #tpu.memory_space<vmem>>, vector<16xf32>,
    %add3A_668 = arith.addf %add3A_665, %get3A_667 : vector<16xf32>
    %get3A_669 = arith.constant 496 : index
    %get3A_670 = tpu.vector_load %arg6[%get3A_669] {strides = array<i32>} : memref<2048xf32, #tpu.memory_space<vmem>>, vector<16xf32>,
    %add3A_671 = arith.addf %add3A_668, %get3A_670 : vector<16xf32>
    %get3A_672 = arith.constant 624 : index
    %get3A_673 = tpu.vector_load %arg6[%get3A_672] {strides = array<i32>} : memref<2048xf32, #tpu.memory_space<vmem>>, vector<16xf32>,
    %add3A_674 = arith.addf %add3A_671, %get3A_673 : vector<16xf32>
    %get3A_675 = arith.constant 752 : index
    %get3A_676 = tpu.vector_load %arg6[%get3A_675] {strides = array<i32>} : memref<2048xf32, #tpu.memory_space<vmem>>, vector<16xf32>,
    %add3A_677 = arith.addf %add3A_674, %get3A_676 : vector<16xf32>
    %get3A_678 = arith.constant 880 : index
    %get3A_679 = tpu.vector_load %arg6[%get3A_678] {strides = array<i32>} : memref<2048xf32, #tpu.memory_space<vmem>>, vector<16xf32>,
    %add3A_680 = arith.addf %add3A_677, %get3A_679 : vector<16xf32>
    %get3A_681 = arith.constant 1008 : index
    %get3A_682 = tpu.vector_load %arg6[%get3A_681] {strides = array<i32>} : memref<2048xf32, #tpu.memory_space<vmem>>, vector<16xf32>,
    %add3A_683 = arith.addf %add3A_680, %get3A_682 : vector<16xf32>
    %get3A_684 = arith.constant 1136 : index
    %get3A_685 = tpu.vector_load %arg6[%get3A_684] {strides = array<i32>} : memref<2048xf32, #tpu.memory_space<vmem>>, vector<16xf32>,
    %add3A_686 = arith.addf %add3A_683, %get3A_685 : vector<16xf32>
    %get3A_687 = arith.constant 1264 : index
    %get3A_688 = tpu.vector_load %arg6[%get3A_687] {strides = array<i32>} : memref<2048xf32, #tpu.memory_space<vmem>>, vector<16xf32>,
    %add3A_689 = arith.addf %add3A_686, %get3A_688 : vector<16xf32>
    %get3A_690 = arith.constant 1392 : index
    %get3A_691 = tpu.vector_load %arg6[%get3A_690] {strides = array<i32>} : memref<2048xf32, #tpu.memory_space<vmem>>, vector<16xf32>,
    %add3A_692 = arith.addf %add3A_689, %get3A_691 : vector<16xf32>
    %get3A_693 = arith.constant 1520 : index
    %get3A_694 = tpu.vector_load %arg6[%get3A_693] {strides = array<i32>} : memref<2048xf32, #tpu.memory_space<vmem>>, vector<16xf32>,
    %add3A_695 = arith.addf %add3A_692, %get3A_694 : vector<16xf32>
    %get3A_696 = arith.constant 1648 : index
    %get3A_697 = tpu.vector_load %arg6[%get3A_696] {strides = array<i32>} : memref<2048xf32, #tpu.memory_space<vmem>>, vector<16xf32>,
    %add3A_698 = arith.addf %add3A_695, %get3A_697 : vector<16xf32>
    %get3A_699 = arith.constant 1776 : index
    %get3A_700 = tpu.vector_load %arg6[%get3A_699] {strides = array<i32>} : memref<2048xf32, #tpu.memory_space<vmem>>, vector<16xf32>,
    %add3A_701 = arith.addf %add3A_698, %get3A_700 : vector<16xf32>
    %get3A_702 = arith.constant 1904 : index
    %get3A_703 = tpu.vector_load %arg6[%get3A_702] {strides = array<i32>} : memref<2048xf32, #tpu.memory_space<vmem>>, vector<16xf32>,
    %add3A_704 = arith.addf %add3A_701, %get3A_703 : vector<16xf32>
    %get3A_705 = arith.constant 2032 : index
    %get3A_706 = tpu.vector_load %arg6[%get3A_705] {strides = array<i32>} : memref<2048xf32, #tpu.memory_space<vmem>>, vector<16xf32>,
    %add3A_707 = arith.addf %add3A_704, %get3A_706 : vector<16xf32>
    %swap3A_708 = arith.constant 112 : index
    %swap3A_709 = tpu.vector_load %arg7[%swap3A_708] {strides = array<i32>} : memref<128xf32, #tpu.memory_space<vmem>>, vector<16xf32>,
    tpu.vector_store %arg7[%swap3A_708], %add3A_707 {strides = array<i32>} : memref<128xf32, #tpu.memory_space<vmem>>, vector<16xf32>,
    "tpu.region"() ({
      %run_scoped3A = tpu.sem_alloc : memref<!tpu.dma_semaphore, #tpu.memory_space<semaphore_mem>>
      %dma_start3A = arith.constant 0 : i32
      %dma_start3A_715 = tpu.memref_slice %arg12[%arg1, %dma_start3A] : memref<16x128xf32, #tpu.memory_space<vmem_shared>> -> memref<1x128xf32, #tpu.memory_space<vmem_shared>>
      %dma_start3A_716 = tpu.memref_squeeze %dma_start3A_715 : memref<1x128xf32, #tpu.memory_space<vmem_shared>> -> memref<128xf32, #tpu.memory_space<vmem_shared>>
      %dma_start3A_717 = arith.constant 0 : i32
      %dma_start3A_718 = tpu.memref_slice %arg12[%arg1, %dma_start3A_717] : memref<16x128xf32, #tpu.memory_space<vmem_shared>> -> memref<1x128xf32, #tpu.memory_space<vmem_shared>>
      %dma_start3A_719 = tpu.memref_squeeze %dma_start3A_718 : memref<1x128xf32, #tpu.memory_space<vmem_shared>> -> memref<128xf32, #tpu.memory_space<vmem_shared>>
      tpu.enqueue_dma source(%arg7 : memref<128xf32, #tpu.memory_space<vmem>>) target(%dma_start3A_719 : memref<128xf32, #tpu.memory_space<vmem_shared>>) target_semaphore(%run_scoped3A : memref<!tpu.dma_semaphore, #tpu.memory_space<semaphore_mem>>)
      %dma_wait3A = arith.constant 0 : i32
      %dma_wait3A_720 = tpu.memref_slice %arg12[%arg1, %dma_wait3A] : memref<16x128xf32, #tpu.memory_space<vmem_shared>> -> memref<1x128xf32, #tpu.memory_space<vmem_shared>>
      %dma_wait3A_721 = tpu.memref_squeeze %dma_wait3A_720 : memref<1x128xf32, #tpu.memory_space<vmem_shared>> -> memref<128xf32, #tpu.memory_space<vmem_shared>>
      %dma_wait3A_722 = arith.constant 0 : i32
      %dma_wait3A_723 = tpu.memref_slice %arg12[%arg1, %dma_wait3A_722] : memref<16x128xf32, #tpu.memory_space<vmem_shared>> -> memref<1x128xf32, #tpu.memory_space<vmem_shared>>
      %dma_wait3A_724 = tpu.memref_squeeze %dma_wait3A_723 : memref<1x128xf32, #tpu.memory_space<vmem_shared>> -> memref<128xf32, #tpu.memory_space<vmem_shared>>
      tpu.wait_dma2 semaphore(%run_scoped3A : memref<!tpu.dma_semaphore, #tpu.memory_space<semaphore_mem>>) src(%arg7 : memref<128xf32, #tpu.memory_space<vmem>>) dst(%dma_wait3A_724 : memref<128xf32, #tpu.memory_space<vmem_shared>>)
      tpu.yield
    }) : () -> ()
    %barrier3A = arith.constant 0 : index
    tpu.barrier barrier_id(%barrier3A)
    %lt3A_710 = arith.constant 8 : i32
    %lt3A_711 = arith.cmpi slt, %arg1, %lt3A_710 : i32
    %convert_element_type3A_712 = arith.extui %lt3A_711 : i1 to i32
    %cond3A_713 = arith.constant 0 : i32
    %cond3A_714 = arith.cmpi ne, %convert_element_type3A_712, %cond3A_713 : i32
    scf.if %cond3A_714 {
      tpu.wait_dma2 semaphore(%arg13 : memref<!tpu.dma_semaphore, #tpu.memory_space<semaphore_mem>>) src(%arg3 : memref<7040xf32, #tpu.memory_space<hbm>>) dst(%arg8 : memref<7040xf32, #tpu.memory_space<vmem>>)
      "tpu.region"() ({
        %run_scoped3A = tpu.sem_alloc : memref<!tpu.dma_semaphore, #tpu.memory_space<semaphore_mem>>
        tpu.enqueue_dma source(%arg12 : memref<16x128xf32, #tpu.memory_space<vmem_shared>>) target(%arg9 : memref<16x128xf32, #tpu.memory_space<vmem>>) target_semaphore(%run_scoped3A : memref<!tpu.dma_semaphore, #tpu.memory_space<semaphore_mem>>)
        tpu.wait_dma2 semaphore(%run_scoped3A : memref<!tpu.dma_semaphore, #tpu.memory_space<semaphore_mem>>) src(%arg12 : memref<16x128xf32, #tpu.memory_space<vmem_shared>>) dst(%arg9 : memref<16x128xf32, #tpu.memory_space<vmem>>)
        tpu.yield
      }) : () -> ()
      %get3A_715 = arith.constant 0 : i32
      %get3A_716 = arith.index_cast %get3A_715 : i32 to index
      %get3A_717 = arith.constant 0 : index
      %get3A_718 = tpu.vector_load %arg9[%get3A_716, %get3A_717] {strides = array<i32>} : memref<16x128xf32, #tpu.memory_space<vmem>>, vector<16xf32>,
      %add3A_719 = arith.addf %broadcast_in_dim3A_0, %get3A_718 : vector<16xf32>
      %get3A_720 = arith.constant 1 : i32
      %get3A_721 = arith.index_cast %get3A_720 : i32 to index
      %get3A_722 = arith.constant 0 : index
      %get3A_723 = tpu.vector_load %arg9[%get3A_721, %get3A_722] {strides = array<i32>} : memref<16x128xf32, #tpu.memory_space<vmem>>, vector<16xf32>,
      %add3A_724 = arith.addf %add3A_719, %get3A_723 : vector<16xf32>
      %get3A_725 = arith.constant 2 : i32
      %get3A_726 = arith.index_cast %get3A_725 : i32 to index
      %get3A_727 = arith.constant 0 : index
      %get3A_728 = tpu.vector_load %arg9[%get3A_726, %get3A_727] {strides = array<i32>} : memref<16x128xf32, #tpu.memory_space<vmem>>, vector<16xf32>,
      %add3A_729 = arith.addf %add3A_724, %get3A_728 : vector<16xf32>
      %get3A_730 = arith.constant 3 : i32
      %get3A_731 = arith.index_cast %get3A_730 : i32 to index
      %get3A_732 = arith.constant 0 : index
      %get3A_733 = tpu.vector_load %arg9[%get3A_731, %get3A_732] {strides = array<i32>} : memref<16x128xf32, #tpu.memory_space<vmem>>, vector<16xf32>,
      %add3A_734 = arith.addf %add3A_729, %get3A_733 : vector<16xf32>
      %get3A_735 = arith.constant 4 : i32
      %get3A_736 = arith.index_cast %get3A_735 : i32 to index
      %get3A_737 = arith.constant 0 : index
      %get3A_738 = tpu.vector_load %arg9[%get3A_736, %get3A_737] {strides = array<i32>} : memref<16x128xf32, #tpu.memory_space<vmem>>, vector<16xf32>,
      %add3A_739 = arith.addf %add3A_734, %get3A_738 : vector<16xf32>
      %get3A_740 = arith.constant 5 : i32
      %get3A_741 = arith.index_cast %get3A_740 : i32 to index
      %get3A_742 = arith.constant 0 : index
      %get3A_743 = tpu.vector_load %arg9[%get3A_741, %get3A_742] {strides = array<i32>} : memref<16x128xf32, #tpu.memory_space<vmem>>, vector<16xf32>,
      %add3A_744 = arith.addf %add3A_739, %get3A_743 : vector<16xf32>
      %get3A_745 = arith.constant 6 : i32
      %get3A_746 = arith.index_cast %get3A_745 : i32 to index
      %get3A_747 = arith.constant 0 : index
      %get3A_748 = tpu.vector_load %arg9[%get3A_746, %get3A_747] {strides = array<i32>} : memref<16x128xf32, #tpu.memory_space<vmem>>, vector<16xf32>,
      %add3A_749 = arith.addf %add3A_744, %get3A_748 : vector<16xf32>
      %get3A_750 = arith.constant 7 : i32
      %get3A_751 = arith.index_cast %get3A_750 : i32 to index
      %get3A_752 = arith.constant 0 : index
      %get3A_753 = tpu.vector_load %arg9[%get3A_751, %get3A_752] {strides = array<i32>} : memref<16x128xf32, #tpu.memory_space<vmem>>, vector<16xf32>,
      %add3A_754 = arith.addf %add3A_749, %get3A_753 : vector<16xf32>
      %get3A_755 = arith.constant 8 : i32
      %get3A_756 = arith.index_cast %get3A_755 : i32 to index
      %get3A_757 = arith.constant 0 : index
      %get3A_758 = tpu.vector_load %arg9[%get3A_756, %get3A_757] {strides = array<i32>} : memref<16x128xf32, #tpu.memory_space<vmem>>, vector<16xf32>,
      %add3A_759 = arith.addf %add3A_754, %get3A_758 : vector<16xf32>
      %get3A_760 = arith.constant 9 : i32
      %get3A_761 = arith.index_cast %get3A_760 : i32 to index
      %get3A_762 = arith.constant 0 : index
      %get3A_763 = tpu.vector_load %arg9[%get3A_761, %get3A_762] {strides = array<i32>} : memref<16x128xf32, #tpu.memory_space<vmem>>, vector<16xf32>,
      %add3A_764 = arith.addf %add3A_759, %get3A_763 : vector<16xf32>
      %get3A_765 = arith.constant 10 : i32
      %get3A_766 = arith.index_cast %get3A_765 : i32 to index
      %get3A_767 = arith.constant 0 : index
      %get3A_768 = tpu.vector_load %arg9[%get3A_766, %get3A_767] {strides = array<i32>} : memref<16x128xf32, #tpu.memory_space<vmem>>, vector<16xf32>,
      %add3A_769 = arith.addf %add3A_764, %get3A_768 : vector<16xf32>
      %get3A_770 = arith.constant 11 : i32
      %get3A_771 = arith.index_cast %get3A_770 : i32 to index
      %get3A_772 = arith.constant 0 : index
      %get3A_773 = tpu.vector_load %arg9[%get3A_771, %get3A_772] {strides = array<i32>} : memref<16x128xf32, #tpu.memory_space<vmem>>, vector<16xf32>,
      %add3A_774 = arith.addf %add3A_769, %get3A_773 : vector<16xf32>
      %get3A_775 = arith.constant 12 : i32
      %get3A_776 = arith.index_cast %get3A_775 : i32 to index
      %get3A_777 = arith.constant 0 : index
      %get3A_778 = tpu.vector_load %arg9[%get3A_776, %get3A_777] {strides = array<i32>} : memref<16x128xf32, #tpu.memory_space<vmem>>, vector<16xf32>,
      %add3A_779 = arith.addf %add3A_774, %get3A_778 : vector<16xf32>
      %get3A_780 = arith.constant 13 : i32
      %get3A_781 = arith.index_cast %get3A_780 : i32 to index
      %get3A_782 = arith.constant 0 : index
      %get3A_783 = tpu.vector_load %arg9[%get3A_781, %get3A_782] {strides = array<i32>} : memref<16x128xf32, #tpu.memory_space<vmem>>, vector<16xf32>,
      %add3A_784 = arith.addf %add3A_779, %get3A_783 : vector<16xf32>
      %get3A_785 = arith.constant 14 : i32
      %get3A_786 = arith.index_cast %get3A_785 : i32 to index
      %get3A_787 = arith.constant 0 : index
      %get3A_788 = tpu.vector_load %arg9[%get3A_786, %get3A_787] {strides = array<i32>} : memref<16x128xf32, #tpu.memory_space<vmem>>, vector<16xf32>,
      %add3A_789 = arith.addf %add3A_784, %get3A_788 : vector<16xf32>
      %get3A_790 = arith.constant 15 : i32
      %get3A_791 = arith.index_cast %get3A_790 : i32 to index
      %get3A_792 = arith.constant 0 : index
      %get3A_793 = tpu.vector_load %arg9[%get3A_791, %get3A_792] {strides = array<i32>} : memref<16x128xf32, #tpu.memory_space<vmem>>, vector<16xf32>,
      %add3A_794 = arith.addf %add3A_789, %get3A_793 : vector<16xf32>
      %swap3A_795 = arith.constant 0 : index
      %swap3A_796 = tpu.vector_load %arg10[%swap3A_795] {strides = array<i32>} : memref<128xf32, #tpu.memory_space<vmem>>, vector<16xf32>,
      tpu.vector_store %arg10[%swap3A_795], %add3A_794 {strides = array<i32>} : memref<128xf32, #tpu.memory_space<vmem>>, vector<16xf32>,
      %get3A_797 = arith.constant 0 : i32
      %get3A_798 = arith.index_cast %get3A_797 : i32 to index
      %get3A_799 = arith.constant 16 : index
      %get3A_800 = tpu.vector_load %arg9[%get3A_798, %get3A_799] {strides = array<i32>} : memref<16x128xf32, #tpu.memory_space<vmem>>, vector<16xf32>,
      %add3A_801 = arith.addf %broadcast_in_dim3A_0, %get3A_800 : vector<16xf32>
      %get3A_802 = arith.constant 1 : i32
      %get3A_803 = arith.index_cast %get3A_802 : i32 to index
      %get3A_804 = arith.constant 16 : index
      %get3A_805 = tpu.vector_load %arg9[%get3A_803, %get3A_804] {strides = array<i32>} : memref<16x128xf32, #tpu.memory_space<vmem>>, vector<16xf32>,
      %add3A_806 = arith.addf %add3A_801, %get3A_805 : vector<16xf32>
      %get3A_807 = arith.constant 2 : i32
      %get3A_808 = arith.index_cast %get3A_807 : i32 to index
      %get3A_809 = arith.constant 16 : index
      %get3A_810 = tpu.vector_load %arg9[%get3A_808, %get3A_809] {strides = array<i32>} : memref<16x128xf32, #tpu.memory_space<vmem>>, vector<16xf32>,
      %add3A_811 = arith.addf %add3A_806, %get3A_810 : vector<16xf32>
      %get3A_812 = arith.constant 3 : i32
      %get3A_813 = arith.index_cast %get3A_812 : i32 to index
      %get3A_814 = arith.constant 16 : index
      %get3A_815 = tpu.vector_load %arg9[%get3A_813, %get3A_814] {strides = array<i32>} : memref<16x128xf32, #tpu.memory_space<vmem>>, vector<16xf32>,
      %add3A_816 = arith.addf %add3A_811, %get3A_815 : vector<16xf32>
      %get3A_817 = arith.constant 4 : i32
      %get3A_818 = arith.index_cast %get3A_817 : i32 to index
      %get3A_819 = arith.constant 16 : index
      %get3A_820 = tpu.vector_load %arg9[%get3A_818, %get3A_819] {strides = array<i32>} : memref<16x128xf32, #tpu.memory_space<vmem>>, vector<16xf32>,
      %add3A_821 = arith.addf %add3A_816, %get3A_820 : vector<16xf32>
      %get3A_822 = arith.constant 5 : i32
      %get3A_823 = arith.index_cast %get3A_822 : i32 to index
      %get3A_824 = arith.constant 16 : index
      %get3A_825 = tpu.vector_load %arg9[%get3A_823, %get3A_824] {strides = array<i32>} : memref<16x128xf32, #tpu.memory_space<vmem>>, vector<16xf32>,
      %add3A_826 = arith.addf %add3A_821, %get3A_825 : vector<16xf32>
      %get3A_827 = arith.constant 6 : i32
      %get3A_828 = arith.index_cast %get3A_827 : i32 to index
      %get3A_829 = arith.constant 16 : index
      %get3A_830 = tpu.vector_load %arg9[%get3A_828, %get3A_829] {strides = array<i32>} : memref<16x128xf32, #tpu.memory_space<vmem>>, vector<16xf32>,
      %add3A_831 = arith.addf %add3A_826, %get3A_830 : vector<16xf32>
      %get3A_832 = arith.constant 7 : i32
      %get3A_833 = arith.index_cast %get3A_832 : i32 to index
      %get3A_834 = arith.constant 16 : index
      %get3A_835 = tpu.vector_load %arg9[%get3A_833, %get3A_834] {strides = array<i32>} : memref<16x128xf32, #tpu.memory_space<vmem>>, vector<16xf32>,
      %add3A_836 = arith.addf %add3A_831, %get3A_835 : vector<16xf32>
      %get3A_837 = arith.constant 8 : i32
      %get3A_838 = arith.index_cast %get3A_837 : i32 to index
      %get3A_839 = arith.constant 16 : index
      %get3A_840 = tpu.vector_load %arg9[%get3A_838, %get3A_839] {strides = array<i32>} : memref<16x128xf32, #tpu.memory_space<vmem>>, vector<16xf32>,
      %add3A_841 = arith.addf %add3A_836, %get3A_840 : vector<16xf32>
      %get3A_842 = arith.constant 9 : i32
      %get3A_843 = arith.index_cast %get3A_842 : i32 to index
      %get3A_844 = arith.constant 16 : index
      %get3A_845 = tpu.vector_load %arg9[%get3A_843, %get3A_844] {strides = array<i32>} : memref<16x128xf32, #tpu.memory_space<vmem>>, vector<16xf32>,
      %add3A_846 = arith.addf %add3A_841, %get3A_845 : vector<16xf32>
      %get3A_847 = arith.constant 10 : i32
      %get3A_848 = arith.index_cast %get3A_847 : i32 to index
      %get3A_849 = arith.constant 16 : index
      %get3A_850 = tpu.vector_load %arg9[%get3A_848, %get3A_849] {strides = array<i32>} : memref<16x128xf32, #tpu.memory_space<vmem>>, vector<16xf32>,
      %add3A_851 = arith.addf %add3A_846, %get3A_850 : vector<16xf32>
      %get3A_852 = arith.constant 11 : i32
      %get3A_853 = arith.index_cast %get3A_852 : i32 to index
      %get3A_854 = arith.constant 16 : index
      %get3A_855 = tpu.vector_load %arg9[%get3A_853, %get3A_854] {strides = array<i32>} : memref<16x128xf32, #tpu.memory_space<vmem>>, vector<16xf32>,
      %add3A_856 = arith.addf %add3A_851, %get3A_855 : vector<16xf32>
      %get3A_857 = arith.constant 12 : i32
      %get3A_858 = arith.index_cast %get3A_857 : i32 to index
      %get3A_859 = arith.constant 16 : index
      %get3A_860 = tpu.vector_load %arg9[%get3A_858, %get3A_859] {strides = array<i32>} : memref<16x128xf32, #tpu.memory_space<vmem>>, vector<16xf32>,
      %add3A_861 = arith.addf %add3A_856, %get3A_860 : vector<16xf32>
      %get3A_862 = arith.constant 13 : i32
      %get3A_863 = arith.index_cast %get3A_862 : i32 to index
      %get3A_864 = arith.constant 16 : index
      %get3A_865 = tpu.vector_load %arg9[%get3A_863, %get3A_864] {strides = array<i32>} : memref<16x128xf32, #tpu.memory_space<vmem>>, vector<16xf32>,
      %add3A_866 = arith.addf %add3A_861, %get3A_865 : vector<16xf32>
      %get3A_867 = arith.constant 14 : i32
      %get3A_868 = arith.index_cast %get3A_867 : i32 to index
      %get3A_869 = arith.constant 16 : index
      %get3A_870 = tpu.vector_load %arg9[%get3A_868, %get3A_869] {strides = array<i32>} : memref<16x128xf32, #tpu.memory_space<vmem>>, vector<16xf32>,
      %add3A_871 = arith.addf %add3A_866, %get3A_870 : vector<16xf32>
      %get3A_872 = arith.constant 15 : i32
      %get3A_873 = arith.index_cast %get3A_872 : i32 to index
      %get3A_874 = arith.constant 16 : index
      %get3A_875 = tpu.vector_load %arg9[%get3A_873, %get3A_874] {strides = array<i32>} : memref<16x128xf32, #tpu.memory_space<vmem>>, vector<16xf32>,
      %add3A_876 = arith.addf %add3A_871, %get3A_875 : vector<16xf32>
      %swap3A_877 = arith.constant 16 : index
      %swap3A_878 = tpu.vector_load %arg10[%swap3A_877] {strides = array<i32>} : memref<128xf32, #tpu.memory_space<vmem>>, vector<16xf32>,
      tpu.vector_store %arg10[%swap3A_877], %add3A_876 {strides = array<i32>} : memref<128xf32, #tpu.memory_space<vmem>>, vector<16xf32>,
      %get3A_879 = arith.constant 0 : i32
      %get3A_880 = arith.index_cast %get3A_879 : i32 to index
      %get3A_881 = arith.constant 32 : index
      %get3A_882 = tpu.vector_load %arg9[%get3A_880, %get3A_881] {strides = array<i32>} : memref<16x128xf32, #tpu.memory_space<vmem>>, vector<16xf32>,
      %add3A_883 = arith.addf %broadcast_in_dim3A_0, %get3A_882 : vector<16xf32>
      %get3A_884 = arith.constant 1 : i32
      %get3A_885 = arith.index_cast %get3A_884 : i32 to index
      %get3A_886 = arith.constant 32 : index
      %get3A_887 = tpu.vector_load %arg9[%get3A_885, %get3A_886] {strides = array<i32>} : memref<16x128xf32, #tpu.memory_space<vmem>>, vector<16xf32>,
      %add3A_888 = arith.addf %add3A_883, %get3A_887 : vector<16xf32>
      %get3A_889 = arith.constant 2 : i32
      %get3A_890 = arith.index_cast %get3A_889 : i32 to index
      %get3A_891 = arith.constant 32 : index
      %get3A_892 = tpu.vector_load %arg9[%get3A_890, %get3A_891] {strides = array<i32>} : memref<16x128xf32, #tpu.memory_space<vmem>>, vector<16xf32>,
      %add3A_893 = arith.addf %add3A_888, %get3A_892 : vector<16xf32>
      %get3A_894 = arith.constant 3 : i32
      %get3A_895 = arith.index_cast %get3A_894 : i32 to index
      %get3A_896 = arith.constant 32 : index
      %get3A_897 = tpu.vector_load %arg9[%get3A_895, %get3A_896] {strides = array<i32>} : memref<16x128xf32, #tpu.memory_space<vmem>>, vector<16xf32>,
      %add3A_898 = arith.addf %add3A_893, %get3A_897 : vector<16xf32>
      %get3A_899 = arith.constant 4 : i32
      %get3A_900 = arith.index_cast %get3A_899 : i32 to index
      %get3A_901 = arith.constant 32 : index
      %get3A_902 = tpu.vector_load %arg9[%get3A_900, %get3A_901] {strides = array<i32>} : memref<16x128xf32, #tpu.memory_space<vmem>>, vector<16xf32>,
      %add3A_903 = arith.addf %add3A_898, %get3A_902 : vector<16xf32>
      %get3A_904 = arith.constant 5 : i32
      %get3A_905 = arith.index_cast %get3A_904 : i32 to index
      %get3A_906 = arith.constant 32 : index
      %get3A_907 = tpu.vector_load %arg9[%get3A_905, %get3A_906] {strides = array<i32>} : memref<16x128xf32, #tpu.memory_space<vmem>>, vector<16xf32>,
      %add3A_908 = arith.addf %add3A_903, %get3A_907 : vector<16xf32>
      %get3A_909 = arith.constant 6 : i32
      %get3A_910 = arith.index_cast %get3A_909 : i32 to index
      %get3A_911 = arith.constant 32 : index
      %get3A_912 = tpu.vector_load %arg9[%get3A_910, %get3A_911] {strides = array<i32>} : memref<16x128xf32, #tpu.memory_space<vmem>>, vector<16xf32>,
      %add3A_913 = arith.addf %add3A_908, %get3A_912 : vector<16xf32>
      %get3A_914 = arith.constant 7 : i32
      %get3A_915 = arith.index_cast %get3A_914 : i32 to index
      %get3A_916 = arith.constant 32 : index
      %get3A_917 = tpu.vector_load %arg9[%get3A_915, %get3A_916] {strides = array<i32>} : memref<16x128xf32, #tpu.memory_space<vmem>>, vector<16xf32>,
      %add3A_918 = arith.addf %add3A_913, %get3A_917 : vector<16xf32>
      %get3A_919 = arith.constant 8 : i32
      %get3A_920 = arith.index_cast %get3A_919 : i32 to index
      %get3A_921 = arith.constant 32 : index
      %get3A_922 = tpu.vector_load %arg9[%get3A_920, %get3A_921] {strides = array<i32>} : memref<16x128xf32, #tpu.memory_space<vmem>>, vector<16xf32>,
      %add3A_923 = arith.addf %add3A_918, %get3A_922 : vector<16xf32>
      %get3A_924 = arith.constant 9 : i32
      %get3A_925 = arith.index_cast %get3A_924 : i32 to index
      %get3A_926 = arith.constant 32 : index
      %get3A_927 = tpu.vector_load %arg9[%get3A_925, %get3A_926] {strides = array<i32>} : memref<16x128xf32, #tpu.memory_space<vmem>>, vector<16xf32>,
      %add3A_928 = arith.addf %add3A_923, %get3A_927 : vector<16xf32>
      %get3A_929 = arith.constant 10 : i32
      %get3A_930 = arith.index_cast %get3A_929 : i32 to index
      %get3A_931 = arith.constant 32 : index
      %get3A_932 = tpu.vector_load %arg9[%get3A_930, %get3A_931] {strides = array<i32>} : memref<16x128xf32, #tpu.memory_space<vmem>>, vector<16xf32>,
      %add3A_933 = arith.addf %add3A_928, %get3A_932 : vector<16xf32>
      %get3A_934 = arith.constant 11 : i32
      %get3A_935 = arith.index_cast %get3A_934 : i32 to index
      %get3A_936 = arith.constant 32 : index
      %get3A_937 = tpu.vector_load %arg9[%get3A_935, %get3A_936] {strides = array<i32>} : memref<16x128xf32, #tpu.memory_space<vmem>>, vector<16xf32>,
      %add3A_938 = arith.addf %add3A_933, %get3A_937 : vector<16xf32>
      %get3A_939 = arith.constant 12 : i32
      %get3A_940 = arith.index_cast %get3A_939 : i32 to index
      %get3A_941 = arith.constant 32 : index
      %get3A_942 = tpu.vector_load %arg9[%get3A_940, %get3A_941] {strides = array<i32>} : memref<16x128xf32, #tpu.memory_space<vmem>>, vector<16xf32>,
      %add3A_943 = arith.addf %add3A_938, %get3A_942 : vector<16xf32>
      %get3A_944 = arith.constant 13 : i32
      %get3A_945 = arith.index_cast %get3A_944 : i32 to index
      %get3A_946 = arith.constant 32 : index
      %get3A_947 = tpu.vector_load %arg9[%get3A_945, %get3A_946] {strides = array<i32>} : memref<16x128xf32, #tpu.memory_space<vmem>>, vector<16xf32>,
      %add3A_948 = arith.addf %add3A_943, %get3A_947 : vector<16xf32>
      %get3A_949 = arith.constant 14 : i32
      %get3A_950 = arith.index_cast %get3A_949 : i32 to index
      %get3A_951 = arith.constant 32 : index
      %get3A_952 = tpu.vector_load %arg9[%get3A_950, %get3A_951] {strides = array<i32>} : memref<16x128xf32, #tpu.memory_space<vmem>>, vector<16xf32>,
      %add3A_953 = arith.addf %add3A_948, %get3A_952 : vector<16xf32>
      %get3A_954 = arith.constant 15 : i32
      %get3A_955 = arith.index_cast %get3A_954 : i32 to index
      %get3A_956 = arith.constant 32 : index
      %get3A_957 = tpu.vector_load %arg9[%get3A_955, %get3A_956] {strides = array<i32>} : memref<16x128xf32, #tpu.memory_space<vmem>>, vector<16xf32>,
      %add3A_958 = arith.addf %add3A_953, %get3A_957 : vector<16xf32>
      %swap3A_959 = arith.constant 32 : index
      %swap3A_960 = tpu.vector_load %arg10[%swap3A_959] {strides = array<i32>} : memref<128xf32, #tpu.memory_space<vmem>>, vector<16xf32>,
      tpu.vector_store %arg10[%swap3A_959], %add3A_958 {strides = array<i32>} : memref<128xf32, #tpu.memory_space<vmem>>, vector<16xf32>,
      %get3A_961 = arith.constant 0 : i32
      %get3A_962 = arith.index_cast %get3A_961 : i32 to index
      %get3A_963 = arith.constant 48 : index
      %get3A_964 = tpu.vector_load %arg9[%get3A_962, %get3A_963] {strides = array<i32>} : memref<16x128xf32, #tpu.memory_space<vmem>>, vector<16xf32>,
      %add3A_965 = arith.addf %broadcast_in_dim3A_0, %get3A_964 : vector<16xf32>
      %get3A_966 = arith.constant 1 : i32
      %get3A_967 = arith.index_cast %get3A_966 : i32 to index
      %get3A_968 = arith.constant 48 : index
      %get3A_969 = tpu.vector_load %arg9[%get3A_967, %get3A_968] {strides = array<i32>} : memref<16x128xf32, #tpu.memory_space<vmem>>, vector<16xf32>,
      %add3A_970 = arith.addf %add3A_965, %get3A_969 : vector<16xf32>
      %get3A_971 = arith.constant 2 : i32
      %get3A_972 = arith.index_cast %get3A_971 : i32 to index
      %get3A_973 = arith.constant 48 : index
      %get3A_974 = tpu.vector_load %arg9[%get3A_972, %get3A_973] {strides = array<i32>} : memref<16x128xf32, #tpu.memory_space<vmem>>, vector<16xf32>,
      %add3A_975 = arith.addf %add3A_970, %get3A_974 : vector<16xf32>
      %get3A_976 = arith.constant 3 : i32
      %get3A_977 = arith.index_cast %get3A_976 : i32 to index
      %get3A_978 = arith.constant 48 : index
      %get3A_979 = tpu.vector_load %arg9[%get3A_977, %get3A_978] {strides = array<i32>} : memref<16x128xf32, #tpu.memory_space<vmem>>, vector<16xf32>,
      %add3A_980 = arith.addf %add3A_975, %get3A_979 : vector<16xf32>
      %get3A_981 = arith.constant 4 : i32
      %get3A_982 = arith.index_cast %get3A_981 : i32 to index
      %get3A_983 = arith.constant 48 : index
      %get3A_984 = tpu.vector_load %arg9[%get3A_982, %get3A_983] {strides = array<i32>} : memref<16x128xf32, #tpu.memory_space<vmem>>, vector<16xf32>,
      %add3A_985 = arith.addf %add3A_980, %get3A_984 : vector<16xf32>
      %get3A_986 = arith.constant 5 : i32
      %get3A_987 = arith.index_cast %get3A_986 : i32 to index
      %get3A_988 = arith.constant 48 : index
      %get3A_989 = tpu.vector_load %arg9[%get3A_987, %get3A_988] {strides = array<i32>} : memref<16x128xf32, #tpu.memory_space<vmem>>, vector<16xf32>,
      %add3A_990 = arith.addf %add3A_985, %get3A_989 : vector<16xf32>
      %get3A_991 = arith.constant 6 : i32
      %get3A_992 = arith.index_cast %get3A_991 : i32 to index
      %get3A_993 = arith.constant 48 : index
      %get3A_994 = tpu.vector_load %arg9[%get3A_992, %get3A_993] {strides = array<i32>} : memref<16x128xf32, #tpu.memory_space<vmem>>, vector<16xf32>,
      %add3A_995 = arith.addf %add3A_990, %get3A_994 : vector<16xf32>
      %get3A_996 = arith.constant 7 : i32
      %get3A_997 = arith.index_cast %get3A_996 : i32 to index
      %get3A_998 = arith.constant 48 : index
      %get3A_999 = tpu.vector_load %arg9[%get3A_997, %get3A_998] {strides = array<i32>} : memref<16x128xf32, #tpu.memory_space<vmem>>, vector<16xf32>,
      %add3A_1000 = arith.addf %add3A_995, %get3A_999 : vector<16xf32>
      %get3A_1001 = arith.constant 8 : i32
      %get3A_1002 = arith.index_cast %get3A_1001 : i32 to index
      %get3A_1003 = arith.constant 48 : index
      %get3A_1004 = tpu.vector_load %arg9[%get3A_1002, %get3A_1003] {strides = array<i32>} : memref<16x128xf32, #tpu.memory_space<vmem>>, vector<16xf32>,
      %add3A_1005 = arith.addf %add3A_1000, %get3A_1004 : vector<16xf32>
      %get3A_1006 = arith.constant 9 : i32
      %get3A_1007 = arith.index_cast %get3A_1006 : i32 to index
      %get3A_1008 = arith.constant 48 : index
      %get3A_1009 = tpu.vector_load %arg9[%get3A_1007, %get3A_1008] {strides = array<i32>} : memref<16x128xf32, #tpu.memory_space<vmem>>, vector<16xf32>,
      %add3A_1010 = arith.addf %add3A_1005, %get3A_1009 : vector<16xf32>
      %get3A_1011 = arith.constant 10 : i32
      %get3A_1012 = arith.index_cast %get3A_1011 : i32 to index
      %get3A_1013 = arith.constant 48 : index
      %get3A_1014 = tpu.vector_load %arg9[%get3A_1012, %get3A_1013] {strides = array<i32>} : memref<16x128xf32, #tpu.memory_space<vmem>>, vector<16xf32>,
      %add3A_1015 = arith.addf %add3A_1010, %get3A_1014 : vector<16xf32>
      %get3A_1016 = arith.constant 11 : i32
      %get3A_1017 = arith.index_cast %get3A_1016 : i32 to index
      %get3A_1018 = arith.constant 48 : index
      %get3A_1019 = tpu.vector_load %arg9[%get3A_1017, %get3A_1018] {strides = array<i32>} : memref<16x128xf32, #tpu.memory_space<vmem>>, vector<16xf32>,
      %add3A_1020 = arith.addf %add3A_1015, %get3A_1019 : vector<16xf32>
      %get3A_1021 = arith.constant 12 : i32
      %get3A_1022 = arith.index_cast %get3A_1021 : i32 to index
      %get3A_1023 = arith.constant 48 : index
      %get3A_1024 = tpu.vector_load %arg9[%get3A_1022, %get3A_1023] {strides = array<i32>} : memref<16x128xf32, #tpu.memory_space<vmem>>, vector<16xf32>,
      %add3A_1025 = arith.addf %add3A_1020, %get3A_1024 : vector<16xf32>
      %get3A_1026 = arith.constant 13 : i32
      %get3A_1027 = arith.index_cast %get3A_1026 : i32 to index
      %get3A_1028 = arith.constant 48 : index
      %get3A_1029 = tpu.vector_load %arg9[%get3A_1027, %get3A_1028] {strides = array<i32>} : memref<16x128xf32, #tpu.memory_space<vmem>>, vector<16xf32>,
      %add3A_1030 = arith.addf %add3A_1025, %get3A_1029 : vector<16xf32>
      %get3A_1031 = arith.constant 14 : i32
      %get3A_1032 = arith.index_cast %get3A_1031 : i32 to index
      %get3A_1033 = arith.constant 48 : index
      %get3A_1034 = tpu.vector_load %arg9[%get3A_1032, %get3A_1033] {strides = array<i32>} : memref<16x128xf32, #tpu.memory_space<vmem>>, vector<16xf32>,
      %add3A_1035 = arith.addf %add3A_1030, %get3A_1034 : vector<16xf32>
      %get3A_1036 = arith.constant 15 : i32
      %get3A_1037 = arith.index_cast %get3A_1036 : i32 to index
      %get3A_1038 = arith.constant 48 : index
      %get3A_1039 = tpu.vector_load %arg9[%get3A_1037, %get3A_1038] {strides = array<i32>} : memref<16x128xf32, #tpu.memory_space<vmem>>, vector<16xf32>,
      %add3A_1040 = arith.addf %add3A_1035, %get3A_1039 : vector<16xf32>
      %swap3A_1041 = arith.constant 48 : index
      %swap3A_1042 = tpu.vector_load %arg10[%swap3A_1041] {strides = array<i32>} : memref<128xf32, #tpu.memory_space<vmem>>, vector<16xf32>,
      tpu.vector_store %arg10[%swap3A_1041], %add3A_1040 {strides = array<i32>} : memref<128xf32, #tpu.memory_space<vmem>>, vector<16xf32>,
      %get3A_1043 = arith.constant 0 : i32
      %get3A_1044 = arith.index_cast %get3A_1043 : i32 to index
      %get3A_1045 = arith.constant 64 : index
      %get3A_1046 = tpu.vector_load %arg9[%get3A_1044, %get3A_1045] {strides = array<i32>} : memref<16x128xf32, #tpu.memory_space<vmem>>, vector<16xf32>,
      %add3A_1047 = arith.addf %broadcast_in_dim3A_0, %get3A_1046 : vector<16xf32>
      %get3A_1048 = arith.constant 1 : i32
      %get3A_1049 = arith.index_cast %get3A_1048 : i32 to index
      %get3A_1050 = arith.constant 64 : index
      %get3A_1051 = tpu.vector_load %arg9[%get3A_1049, %get3A_1050] {strides = array<i32>} : memref<16x128xf32, #tpu.memory_space<vmem>>, vector<16xf32>,
      %add3A_1052 = arith.addf %add3A_1047, %get3A_1051 : vector<16xf32>
      %get3A_1053 = arith.constant 2 : i32
      %get3A_1054 = arith.index_cast %get3A_1053 : i32 to index
      %get3A_1055 = arith.constant 64 : index
      %get3A_1056 = tpu.vector_load %arg9[%get3A_1054, %get3A_1055] {strides = array<i32>} : memref<16x128xf32, #tpu.memory_space<vmem>>, vector<16xf32>,
      %add3A_1057 = arith.addf %add3A_1052, %get3A_1056 : vector<16xf32>
      %get3A_1058 = arith.constant 3 : i32
      %get3A_1059 = arith.index_cast %get3A_1058 : i32 to index
      %get3A_1060 = arith.constant 64 : index
      %get3A_1061 = tpu.vector_load %arg9[%get3A_1059, %get3A_1060] {strides = array<i32>} : memref<16x128xf32, #tpu.memory_space<vmem>>, vector<16xf32>,
      %add3A_1062 = arith.addf %add3A_1057, %get3A_1061 : vector<16xf32>
      %get3A_1063 = arith.constant 4 : i32
      %get3A_1064 = arith.index_cast %get3A_1063 : i32 to index
      %get3A_1065 = arith.constant 64 : index
      %get3A_1066 = tpu.vector_load %arg9[%get3A_1064, %get3A_1065] {strides = array<i32>} : memref<16x128xf32, #tpu.memory_space<vmem>>, vector<16xf32>,
      %add3A_1067 = arith.addf %add3A_1062, %get3A_1066 : vector<16xf32>
      %get3A_1068 = arith.constant 5 : i32
      %get3A_1069 = arith.index_cast %get3A_1068 : i32 to index
      %get3A_1070 = arith.constant 64 : index
      %get3A_1071 = tpu.vector_load %arg9[%get3A_1069, %get3A_1070] {strides = array<i32>} : memref<16x128xf32, #tpu.memory_space<vmem>>, vector<16xf32>,
      %add3A_1072 = arith.addf %add3A_1067, %get3A_1071 : vector<16xf32>
      %get3A_1073 = arith.constant 6 : i32
      %get3A_1074 = arith.index_cast %get3A_1073 : i32 to index
      %get3A_1075 = arith.constant 64 : index
      %get3A_1076 = tpu.vector_load %arg9[%get3A_1074, %get3A_1075] {strides = array<i32>} : memref<16x128xf32, #tpu.memory_space<vmem>>, vector<16xf32>,
      %add3A_1077 = arith.addf %add3A_1072, %get3A_1076 : vector<16xf32>
      %get3A_1078 = arith.constant 7 : i32
      %get3A_1079 = arith.index_cast %get3A_1078 : i32 to index
      %get3A_1080 = arith.constant 64 : index
      %get3A_1081 = tpu.vector_load %arg9[%get3A_1079, %get3A_1080] {strides = array<i32>} : memref<16x128xf32, #tpu.memory_space<vmem>>, vector<16xf32>,
      %add3A_1082 = arith.addf %add3A_1077, %get3A_1081 : vector<16xf32>
      %get3A_1083 = arith.constant 8 : i32
      %get3A_1084 = arith.index_cast %get3A_1083 : i32 to index
      %get3A_1085 = arith.constant 64 : index
      %get3A_1086 = tpu.vector_load %arg9[%get3A_1084, %get3A_1085] {strides = array<i32>} : memref<16x128xf32, #tpu.memory_space<vmem>>, vector<16xf32>,
      %add3A_1087 = arith.addf %add3A_1082, %get3A_1086 : vector<16xf32>
      %get3A_1088 = arith.constant 9 : i32
      %get3A_1089 = arith.index_cast %get3A_1088 : i32 to index
      %get3A_1090 = arith.constant 64 : index
      %get3A_1091 = tpu.vector_load %arg9[%get3A_1089, %get3A_1090] {strides = array<i32>} : memref<16x128xf32, #tpu.memory_space<vmem>>, vector<16xf32>,
      %add3A_1092 = arith.addf %add3A_1087, %get3A_1091 : vector<16xf32>
      %get3A_1093 = arith.constant 10 : i32
      %get3A_1094 = arith.index_cast %get3A_1093 : i32 to index
      %get3A_1095 = arith.constant 64 : index
      %get3A_1096 = tpu.vector_load %arg9[%get3A_1094, %get3A_1095] {strides = array<i32>} : memref<16x128xf32, #tpu.memory_space<vmem>>, vector<16xf32>,
      %add3A_1097 = arith.addf %add3A_1092, %get3A_1096 : vector<16xf32>
      %get3A_1098 = arith.constant 11 : i32
      %get3A_1099 = arith.index_cast %get3A_1098 : i32 to index
      %get3A_1100 = arith.constant 64 : index
      %get3A_1101 = tpu.vector_load %arg9[%get3A_1099, %get3A_1100] {strides = array<i32>} : memref<16x128xf32, #tpu.memory_space<vmem>>, vector<16xf32>,
      %add3A_1102 = arith.addf %add3A_1097, %get3A_1101 : vector<16xf32>
      %get3A_1103 = arith.constant 12 : i32
      %get3A_1104 = arith.index_cast %get3A_1103 : i32 to index
      %get3A_1105 = arith.constant 64 : index
      %get3A_1106 = tpu.vector_load %arg9[%get3A_1104, %get3A_1105] {strides = array<i32>} : memref<16x128xf32, #tpu.memory_space<vmem>>, vector<16xf32>,
      %add3A_1107 = arith.addf %add3A_1102, %get3A_1106 : vector<16xf32>
      %get3A_1108 = arith.constant 13 : i32
      %get3A_1109 = arith.index_cast %get3A_1108 : i32 to index
      %get3A_1110 = arith.constant 64 : index
      %get3A_1111 = tpu.vector_load %arg9[%get3A_1109, %get3A_1110] {strides = array<i32>} : memref<16x128xf32, #tpu.memory_space<vmem>>, vector<16xf32>,
      %add3A_1112 = arith.addf %add3A_1107, %get3A_1111 : vector<16xf32>
      %get3A_1113 = arith.constant 14 : i32
      %get3A_1114 = arith.index_cast %get3A_1113 : i32 to index
      %get3A_1115 = arith.constant 64 : index
      %get3A_1116 = tpu.vector_load %arg9[%get3A_1114, %get3A_1115] {strides = array<i32>} : memref<16x128xf32, #tpu.memory_space<vmem>>, vector<16xf32>,
      %add3A_1117 = arith.addf %add3A_1112, %get3A_1116 : vector<16xf32>
      %get3A_1118 = arith.constant 15 : i32
      %get3A_1119 = arith.index_cast %get3A_1118 : i32 to index
      %get3A_1120 = arith.constant 64 : index
      %get3A_1121 = tpu.vector_load %arg9[%get3A_1119, %get3A_1120] {strides = array<i32>} : memref<16x128xf32, #tpu.memory_space<vmem>>, vector<16xf32>,
      %add3A_1122 = arith.addf %add3A_1117, %get3A_1121 : vector<16xf32>
      %swap3A_1123 = arith.constant 64 : index
      %swap3A_1124 = tpu.vector_load %arg10[%swap3A_1123] {strides = array<i32>} : memref<128xf32, #tpu.memory_space<vmem>>, vector<16xf32>,
      tpu.vector_store %arg10[%swap3A_1123], %add3A_1122 {strides = array<i32>} : memref<128xf32, #tpu.memory_space<vmem>>, vector<16xf32>,
      %get3A_1125 = arith.constant 0 : i32
      %get3A_1126 = arith.index_cast %get3A_1125 : i32 to index
      %get3A_1127 = arith.constant 80 : index
      %get3A_1128 = tpu.vector_load %arg9[%get3A_1126, %get3A_1127] {strides = array<i32>} : memref<16x128xf32, #tpu.memory_space<vmem>>, vector<16xf32>,
      %add3A_1129 = arith.addf %broadcast_in_dim3A_0, %get3A_1128 : vector<16xf32>
      %get3A_1130 = arith.constant 1 : i32
      %get3A_1131 = arith.index_cast %get3A_1130 : i32 to index
      %get3A_1132 = arith.constant 80 : index
      %get3A_1133 = tpu.vector_load %arg9[%get3A_1131, %get3A_1132] {strides = array<i32>} : memref<16x128xf32, #tpu.memory_space<vmem>>, vector<16xf32>,
      %add3A_1134 = arith.addf %add3A_1129, %get3A_1133 : vector<16xf32>
      %get3A_1135 = arith.constant 2 : i32
      %get3A_1136 = arith.index_cast %get3A_1135 : i32 to index
      %get3A_1137 = arith.constant 80 : index
      %get3A_1138 = tpu.vector_load %arg9[%get3A_1136, %get3A_1137] {strides = array<i32>} : memref<16x128xf32, #tpu.memory_space<vmem>>, vector<16xf32>,
      %add3A_1139 = arith.addf %add3A_1134, %get3A_1138 : vector<16xf32>
      %get3A_1140 = arith.constant 3 : i32
      %get3A_1141 = arith.index_cast %get3A_1140 : i32 to index
      %get3A_1142 = arith.constant 80 : index
      %get3A_1143 = tpu.vector_load %arg9[%get3A_1141, %get3A_1142] {strides = array<i32>} : memref<16x128xf32, #tpu.memory_space<vmem>>, vector<16xf32>,
      %add3A_1144 = arith.addf %add3A_1139, %get3A_1143 : vector<16xf32>
      %get3A_1145 = arith.constant 4 : i32
      %get3A_1146 = arith.index_cast %get3A_1145 : i32 to index
      %get3A_1147 = arith.constant 80 : index
      %get3A_1148 = tpu.vector_load %arg9[%get3A_1146, %get3A_1147] {strides = array<i32>} : memref<16x128xf32, #tpu.memory_space<vmem>>, vector<16xf32>,
      %add3A_1149 = arith.addf %add3A_1144, %get3A_1148 : vector<16xf32>
      %get3A_1150 = arith.constant 5 : i32
      %get3A_1151 = arith.index_cast %get3A_1150 : i32 to index
      %get3A_1152 = arith.constant 80 : index
      %get3A_1153 = tpu.vector_load %arg9[%get3A_1151, %get3A_1152] {strides = array<i32>} : memref<16x128xf32, #tpu.memory_space<vmem>>, vector<16xf32>,
      %add3A_1154 = arith.addf %add3A_1149, %get3A_1153 : vector<16xf32>
      %get3A_1155 = arith.constant 6 : i32
      %get3A_1156 = arith.index_cast %get3A_1155 : i32 to index
      %get3A_1157 = arith.constant 80 : index
      %get3A_1158 = tpu.vector_load %arg9[%get3A_1156, %get3A_1157] {strides = array<i32>} : memref<16x128xf32, #tpu.memory_space<vmem>>, vector<16xf32>,
      %add3A_1159 = arith.addf %add3A_1154, %get3A_1158 : vector<16xf32>
      %get3A_1160 = arith.constant 7 : i32
      %get3A_1161 = arith.index_cast %get3A_1160 : i32 to index
      %get3A_1162 = arith.constant 80 : index
      %get3A_1163 = tpu.vector_load %arg9[%get3A_1161, %get3A_1162] {strides = array<i32>} : memref<16x128xf32, #tpu.memory_space<vmem>>, vector<16xf32>,
      %add3A_1164 = arith.addf %add3A_1159, %get3A_1163 : vector<16xf32>
      %get3A_1165 = arith.constant 8 : i32
      %get3A_1166 = arith.index_cast %get3A_1165 : i32 to index
      %get3A_1167 = arith.constant 80 : index
      %get3A_1168 = tpu.vector_load %arg9[%get3A_1166, %get3A_1167] {strides = array<i32>} : memref<16x128xf32, #tpu.memory_space<vmem>>, vector<16xf32>,
      %add3A_1169 = arith.addf %add3A_1164, %get3A_1168 : vector<16xf32>
      %get3A_1170 = arith.constant 9 : i32
      %get3A_1171 = arith.index_cast %get3A_1170 : i32 to index
      %get3A_1172 = arith.constant 80 : index
      %get3A_1173 = tpu.vector_load %arg9[%get3A_1171, %get3A_1172] {strides = array<i32>} : memref<16x128xf32, #tpu.memory_space<vmem>>, vector<16xf32>,
      %add3A_1174 = arith.addf %add3A_1169, %get3A_1173 : vector<16xf32>
      %get3A_1175 = arith.constant 10 : i32
      %get3A_1176 = arith.index_cast %get3A_1175 : i32 to index
      %get3A_1177 = arith.constant 80 : index
      %get3A_1178 = tpu.vector_load %arg9[%get3A_1176, %get3A_1177] {strides = array<i32>} : memref<16x128xf32, #tpu.memory_space<vmem>>, vector<16xf32>,
      %add3A_1179 = arith.addf %add3A_1174, %get3A_1178 : vector<16xf32>
      %get3A_1180 = arith.constant 11 : i32
      %get3A_1181 = arith.index_cast %get3A_1180 : i32 to index
      %get3A_1182 = arith.constant 80 : index
      %get3A_1183 = tpu.vector_load %arg9[%get3A_1181, %get3A_1182] {strides = array<i32>} : memref<16x128xf32, #tpu.memory_space<vmem>>, vector<16xf32>,
      %add3A_1184 = arith.addf %add3A_1179, %get3A_1183 : vector<16xf32>
      %get3A_1185 = arith.constant 12 : i32
      %get3A_1186 = arith.index_cast %get3A_1185 : i32 to index
      %get3A_1187 = arith.constant 80 : index
      %get3A_1188 = tpu.vector_load %arg9[%get3A_1186, %get3A_1187] {strides = array<i32>} : memref<16x128xf32, #tpu.memory_space<vmem>>, vector<16xf32>,
      %add3A_1189 = arith.addf %add3A_1184, %get3A_1188 : vector<16xf32>
      %get3A_1190 = arith.constant 13 : i32
      %get3A_1191 = arith.index_cast %get3A_1190 : i32 to index
      %get3A_1192 = arith.constant 80 : index
      %get3A_1193 = tpu.vector_load %arg9[%get3A_1191, %get3A_1192] {strides = array<i32>} : memref<16x128xf32, #tpu.memory_space<vmem>>, vector<16xf32>,
      %add3A_1194 = arith.addf %add3A_1189, %get3A_1193 : vector<16xf32>
      %get3A_1195 = arith.constant 14 : i32
      %get3A_1196 = arith.index_cast %get3A_1195 : i32 to index
      %get3A_1197 = arith.constant 80 : index
      %get3A_1198 = tpu.vector_load %arg9[%get3A_1196, %get3A_1197] {strides = array<i32>} : memref<16x128xf32, #tpu.memory_space<vmem>>, vector<16xf32>,
      %add3A_1199 = arith.addf %add3A_1194, %get3A_1198 : vector<16xf32>
      %get3A_1200 = arith.constant 15 : i32
      %get3A_1201 = arith.index_cast %get3A_1200 : i32 to index
      %get3A_1202 = arith.constant 80 : index
      %get3A_1203 = tpu.vector_load %arg9[%get3A_1201, %get3A_1202] {strides = array<i32>} : memref<16x128xf32, #tpu.memory_space<vmem>>, vector<16xf32>,
      %add3A_1204 = arith.addf %add3A_1199, %get3A_1203 : vector<16xf32>
      %swap3A_1205 = arith.constant 80 : index
      %swap3A_1206 = tpu.vector_load %arg10[%swap3A_1205] {strides = array<i32>} : memref<128xf32, #tpu.memory_space<vmem>>, vector<16xf32>,
      tpu.vector_store %arg10[%swap3A_1205], %add3A_1204 {strides = array<i32>} : memref<128xf32, #tpu.memory_space<vmem>>, vector<16xf32>,
      %get3A_1207 = arith.constant 0 : i32
      %get3A_1208 = arith.index_cast %get3A_1207 : i32 to index
      %get3A_1209 = arith.constant 96 : index
      %get3A_1210 = tpu.vector_load %arg9[%get3A_1208, %get3A_1209] {strides = array<i32>} : memref<16x128xf32, #tpu.memory_space<vmem>>, vector<16xf32>,
      %add3A_1211 = arith.addf %broadcast_in_dim3A_0, %get3A_1210 : vector<16xf32>
      %get3A_1212 = arith.constant 1 : i32
      %get3A_1213 = arith.index_cast %get3A_1212 : i32 to index
      %get3A_1214 = arith.constant 96 : index
      %get3A_1215 = tpu.vector_load %arg9[%get3A_1213, %get3A_1214] {strides = array<i32>} : memref<16x128xf32, #tpu.memory_space<vmem>>, vector<16xf32>,
      %add3A_1216 = arith.addf %add3A_1211, %get3A_1215 : vector<16xf32>
      %get3A_1217 = arith.constant 2 : i32
      %get3A_1218 = arith.index_cast %get3A_1217 : i32 to index
      %get3A_1219 = arith.constant 96 : index
      %get3A_1220 = tpu.vector_load %arg9[%get3A_1218, %get3A_1219] {strides = array<i32>} : memref<16x128xf32, #tpu.memory_space<vmem>>, vector<16xf32>,
      %add3A_1221 = arith.addf %add3A_1216, %get3A_1220 : vector<16xf32>
      %get3A_1222 = arith.constant 3 : i32
      %get3A_1223 = arith.index_cast %get3A_1222 : i32 to index
      %get3A_1224 = arith.constant 96 : index
      %get3A_1225 = tpu.vector_load %arg9[%get3A_1223, %get3A_1224] {strides = array<i32>} : memref<16x128xf32, #tpu.memory_space<vmem>>, vector<16xf32>,
      %add3A_1226 = arith.addf %add3A_1221, %get3A_1225 : vector<16xf32>
      %get3A_1227 = arith.constant 4 : i32
      %get3A_1228 = arith.index_cast %get3A_1227 : i32 to index
      %get3A_1229 = arith.constant 96 : index
      %get3A_1230 = tpu.vector_load %arg9[%get3A_1228, %get3A_1229] {strides = array<i32>} : memref<16x128xf32, #tpu.memory_space<vmem>>, vector<16xf32>,
      %add3A_1231 = arith.addf %add3A_1226, %get3A_1230 : vector<16xf32>
      %get3A_1232 = arith.constant 5 : i32
      %get3A_1233 = arith.index_cast %get3A_1232 : i32 to index
      %get3A_1234 = arith.constant 96 : index
      %get3A_1235 = tpu.vector_load %arg9[%get3A_1233, %get3A_1234] {strides = array<i32>} : memref<16x128xf32, #tpu.memory_space<vmem>>, vector<16xf32>,
      %add3A_1236 = arith.addf %add3A_1231, %get3A_1235 : vector<16xf32>
      %get3A_1237 = arith.constant 6 : i32
      %get3A_1238 = arith.index_cast %get3A_1237 : i32 to index
      %get3A_1239 = arith.constant 96 : index
      %get3A_1240 = tpu.vector_load %arg9[%get3A_1238, %get3A_1239] {strides = array<i32>} : memref<16x128xf32, #tpu.memory_space<vmem>>, vector<16xf32>,
      %add3A_1241 = arith.addf %add3A_1236, %get3A_1240 : vector<16xf32>
      %get3A_1242 = arith.constant 7 : i32
      %get3A_1243 = arith.index_cast %get3A_1242 : i32 to index
      %get3A_1244 = arith.constant 96 : index
      %get3A_1245 = tpu.vector_load %arg9[%get3A_1243, %get3A_1244] {strides = array<i32>} : memref<16x128xf32, #tpu.memory_space<vmem>>, vector<16xf32>,
      %add3A_1246 = arith.addf %add3A_1241, %get3A_1245 : vector<16xf32>
      %get3A_1247 = arith.constant 8 : i32
      %get3A_1248 = arith.index_cast %get3A_1247 : i32 to index
      %get3A_1249 = arith.constant 96 : index
      %get3A_1250 = tpu.vector_load %arg9[%get3A_1248, %get3A_1249] {strides = array<i32>} : memref<16x128xf32, #tpu.memory_space<vmem>>, vector<16xf32>,
      %add3A_1251 = arith.addf %add3A_1246, %get3A_1250 : vector<16xf32>
      %get3A_1252 = arith.constant 9 : i32
      %get3A_1253 = arith.index_cast %get3A_1252 : i32 to index
      %get3A_1254 = arith.constant 96 : index
      %get3A_1255 = tpu.vector_load %arg9[%get3A_1253, %get3A_1254] {strides = array<i32>} : memref<16x128xf32, #tpu.memory_space<vmem>>, vector<16xf32>,
      %add3A_1256 = arith.addf %add3A_1251, %get3A_1255 : vector<16xf32>
      %get3A_1257 = arith.constant 10 : i32
      %get3A_1258 = arith.index_cast %get3A_1257 : i32 to index
      %get3A_1259 = arith.constant 96 : index
      %get3A_1260 = tpu.vector_load %arg9[%get3A_1258, %get3A_1259] {strides = array<i32>} : memref<16x128xf32, #tpu.memory_space<vmem>>, vector<16xf32>,
      %add3A_1261 = arith.addf %add3A_1256, %get3A_1260 : vector<16xf32>
      %get3A_1262 = arith.constant 11 : i32
      %get3A_1263 = arith.index_cast %get3A_1262 : i32 to index
      %get3A_1264 = arith.constant 96 : index
      %get3A_1265 = tpu.vector_load %arg9[%get3A_1263, %get3A_1264] {strides = array<i32>} : memref<16x128xf32, #tpu.memory_space<vmem>>, vector<16xf32>,
      %add3A_1266 = arith.addf %add3A_1261, %get3A_1265 : vector<16xf32>
      %get3A_1267 = arith.constant 12 : i32
      %get3A_1268 = arith.index_cast %get3A_1267 : i32 to index
      %get3A_1269 = arith.constant 96 : index
      %get3A_1270 = tpu.vector_load %arg9[%get3A_1268, %get3A_1269] {strides = array<i32>} : memref<16x128xf32, #tpu.memory_space<vmem>>, vector<16xf32>,
      %add3A_1271 = arith.addf %add3A_1266, %get3A_1270 : vector<16xf32>
      %get3A_1272 = arith.constant 13 : i32
      %get3A_1273 = arith.index_cast %get3A_1272 : i32 to index
      %get3A_1274 = arith.constant 96 : index
      %get3A_1275 = tpu.vector_load %arg9[%get3A_1273, %get3A_1274] {strides = array<i32>} : memref<16x128xf32, #tpu.memory_space<vmem>>, vector<16xf32>,
      %add3A_1276 = arith.addf %add3A_1271, %get3A_1275 : vector<16xf32>
      %get3A_1277 = arith.constant 14 : i32
      %get3A_1278 = arith.index_cast %get3A_1277 : i32 to index
      %get3A_1279 = arith.constant 96 : index
      %get3A_1280 = tpu.vector_load %arg9[%get3A_1278, %get3A_1279] {strides = array<i32>} : memref<16x128xf32, #tpu.memory_space<vmem>>, vector<16xf32>,
      %add3A_1281 = arith.addf %add3A_1276, %get3A_1280 : vector<16xf32>
      %get3A_1282 = arith.constant 15 : i32
      %get3A_1283 = arith.index_cast %get3A_1282 : i32 to index
      %get3A_1284 = arith.constant 96 : index
      %get3A_1285 = tpu.vector_load %arg9[%get3A_1283, %get3A_1284] {strides = array<i32>} : memref<16x128xf32, #tpu.memory_space<vmem>>, vector<16xf32>,
      %add3A_1286 = arith.addf %add3A_1281, %get3A_1285 : vector<16xf32>
      %swap3A_1287 = arith.constant 96 : index
      %swap3A_1288 = tpu.vector_load %arg10[%swap3A_1287] {strides = array<i32>} : memref<128xf32, #tpu.memory_space<vmem>>, vector<16xf32>,
      tpu.vector_store %arg10[%swap3A_1287], %add3A_1286 {strides = array<i32>} : memref<128xf32, #tpu.memory_space<vmem>>, vector<16xf32>,
      %get3A_1289 = arith.constant 0 : i32
      %get3A_1290 = arith.index_cast %get3A_1289 : i32 to index
      %get3A_1291 = arith.constant 112 : index
      %get3A_1292 = tpu.vector_load %arg9[%get3A_1290, %get3A_1291] {strides = array<i32>} : memref<16x128xf32, #tpu.memory_space<vmem>>, vector<16xf32>,
      %add3A_1293 = arith.addf %broadcast_in_dim3A_0, %get3A_1292 : vector<16xf32>
      %get3A_1294 = arith.constant 1 : i32
      %get3A_1295 = arith.index_cast %get3A_1294 : i32 to index
      %get3A_1296 = arith.constant 112 : index
      %get3A_1297 = tpu.vector_load %arg9[%get3A_1295, %get3A_1296] {strides = array<i32>} : memref<16x128xf32, #tpu.memory_space<vmem>>, vector<16xf32>,
      %add3A_1298 = arith.addf %add3A_1293, %get3A_1297 : vector<16xf32>
      %get3A_1299 = arith.constant 2 : i32
      %get3A_1300 = arith.index_cast %get3A_1299 : i32 to index
      %get3A_1301 = arith.constant 112 : index
      %get3A_1302 = tpu.vector_load %arg9[%get3A_1300, %get3A_1301] {strides = array<i32>} : memref<16x128xf32, #tpu.memory_space<vmem>>, vector<16xf32>,
      %add3A_1303 = arith.addf %add3A_1298, %get3A_1302 : vector<16xf32>
      %get3A_1304 = arith.constant 3 : i32
      %get3A_1305 = arith.index_cast %get3A_1304 : i32 to index
      %get3A_1306 = arith.constant 112 : index
      %get3A_1307 = tpu.vector_load %arg9[%get3A_1305, %get3A_1306] {strides = array<i32>} : memref<16x128xf32, #tpu.memory_space<vmem>>, vector<16xf32>,
      %add3A_1308 = arith.addf %add3A_1303, %get3A_1307 : vector<16xf32>
      %get3A_1309 = arith.constant 4 : i32
      %get3A_1310 = arith.index_cast %get3A_1309 : i32 to index
      %get3A_1311 = arith.constant 112 : index
      %get3A_1312 = tpu.vector_load %arg9[%get3A_1310, %get3A_1311] {strides = array<i32>} : memref<16x128xf32, #tpu.memory_space<vmem>>, vector<16xf32>,
      %add3A_1313 = arith.addf %add3A_1308, %get3A_1312 : vector<16xf32>
      %get3A_1314 = arith.constant 5 : i32
      %get3A_1315 = arith.index_cast %get3A_1314 : i32 to index
      %get3A_1316 = arith.constant 112 : index
      %get3A_1317 = tpu.vector_load %arg9[%get3A_1315, %get3A_1316] {strides = array<i32>} : memref<16x128xf32, #tpu.memory_space<vmem>>, vector<16xf32>,
      %add3A_1318 = arith.addf %add3A_1313, %get3A_1317 : vector<16xf32>
      %get3A_1319 = arith.constant 6 : i32
      %get3A_1320 = arith.index_cast %get3A_1319 : i32 to index
      %get3A_1321 = arith.constant 112 : index
      %get3A_1322 = tpu.vector_load %arg9[%get3A_1320, %get3A_1321] {strides = array<i32>} : memref<16x128xf32, #tpu.memory_space<vmem>>, vector<16xf32>,
      %add3A_1323 = arith.addf %add3A_1318, %get3A_1322 : vector<16xf32>
      %get3A_1324 = arith.constant 7 : i32
      %get3A_1325 = arith.index_cast %get3A_1324 : i32 to index
      %get3A_1326 = arith.constant 112 : index
      %get3A_1327 = tpu.vector_load %arg9[%get3A_1325, %get3A_1326] {strides = array<i32>} : memref<16x128xf32, #tpu.memory_space<vmem>>, vector<16xf32>,
      %add3A_1328 = arith.addf %add3A_1323, %get3A_1327 : vector<16xf32>
      %get3A_1329 = arith.constant 8 : i32
      %get3A_1330 = arith.index_cast %get3A_1329 : i32 to index
      %get3A_1331 = arith.constant 112 : index
      %get3A_1332 = tpu.vector_load %arg9[%get3A_1330, %get3A_1331] {strides = array<i32>} : memref<16x128xf32, #tpu.memory_space<vmem>>, vector<16xf32>,
      %add3A_1333 = arith.addf %add3A_1328, %get3A_1332 : vector<16xf32>
      %get3A_1334 = arith.constant 9 : i32
      %get3A_1335 = arith.index_cast %get3A_1334 : i32 to index
      %get3A_1336 = arith.constant 112 : index
      %get3A_1337 = tpu.vector_load %arg9[%get3A_1335, %get3A_1336] {strides = array<i32>} : memref<16x128xf32, #tpu.memory_space<vmem>>, vector<16xf32>,
      %add3A_1338 = arith.addf %add3A_1333, %get3A_1337 : vector<16xf32>
      %get3A_1339 = arith.constant 10 : i32
      %get3A_1340 = arith.index_cast %get3A_1339 : i32 to index
      %get3A_1341 = arith.constant 112 : index
      %get3A_1342 = tpu.vector_load %arg9[%get3A_1340, %get3A_1341] {strides = array<i32>} : memref<16x128xf32, #tpu.memory_space<vmem>>, vector<16xf32>,
      %add3A_1343 = arith.addf %add3A_1338, %get3A_1342 : vector<16xf32>
      %get3A_1344 = arith.constant 11 : i32
      %get3A_1345 = arith.index_cast %get3A_1344 : i32 to index
      %get3A_1346 = arith.constant 112 : index
      %get3A_1347 = tpu.vector_load %arg9[%get3A_1345, %get3A_1346] {strides = array<i32>} : memref<16x128xf32, #tpu.memory_space<vmem>>, vector<16xf32>,
      %add3A_1348 = arith.addf %add3A_1343, %get3A_1347 : vector<16xf32>
      %get3A_1349 = arith.constant 12 : i32
      %get3A_1350 = arith.index_cast %get3A_1349 : i32 to index
      %get3A_1351 = arith.constant 112 : index
      %get3A_1352 = tpu.vector_load %arg9[%get3A_1350, %get3A_1351] {strides = array<i32>} : memref<16x128xf32, #tpu.memory_space<vmem>>, vector<16xf32>,
      %add3A_1353 = arith.addf %add3A_1348, %get3A_1352 : vector<16xf32>
      %get3A_1354 = arith.constant 13 : i32
      %get3A_1355 = arith.index_cast %get3A_1354 : i32 to index
      %get3A_1356 = arith.constant 112 : index
      %get3A_1357 = tpu.vector_load %arg9[%get3A_1355, %get3A_1356] {strides = array<i32>} : memref<16x128xf32, #tpu.memory_space<vmem>>, vector<16xf32>,
      %add3A_1358 = arith.addf %add3A_1353, %get3A_1357 : vector<16xf32>
      %get3A_1359 = arith.constant 14 : i32
      %get3A_1360 = arith.index_cast %get3A_1359 : i32 to index
      %get3A_1361 = arith.constant 112 : index
      %get3A_1362 = tpu.vector_load %arg9[%get3A_1360, %get3A_1361] {strides = array<i32>} : memref<16x128xf32, #tpu.memory_space<vmem>>, vector<16xf32>,
      %add3A_1363 = arith.addf %add3A_1358, %get3A_1362 : vector<16xf32>
      %get3A_1364 = arith.constant 15 : i32
      %get3A_1365 = arith.index_cast %get3A_1364 : i32 to index
      %get3A_1366 = arith.constant 112 : index
      %get3A_1367 = tpu.vector_load %arg9[%get3A_1365, %get3A_1366] {strides = array<i32>} : memref<16x128xf32, #tpu.memory_space<vmem>>, vector<16xf32>,
      %add3A_1368 = arith.addf %add3A_1363, %get3A_1367 : vector<16xf32>
      %swap3A_1369 = arith.constant 112 : index
      %swap3A_1370 = tpu.vector_load %arg10[%swap3A_1369] {strides = array<i32>} : memref<128xf32, #tpu.memory_space<vmem>>, vector<16xf32>,
      tpu.vector_store %arg10[%swap3A_1369], %add3A_1368 {strides = array<i32>} : memref<128xf32, #tpu.memory_space<vmem>>, vector<16xf32>,
      %mul3A_1371 = arith.constant 16 : i32
      %mul3A_1372 = arith.muli %mul3A_1371, %arg1 : i32
      %add3A_1373 = vector.broadcast %mul3A_1372 : i32 to vector<16xi32>
      %add3A_1374 = arith.addi %add3A_1373, %iota3A : vector<16xi32>
      %add3A_1375 = arith.constant 1 : i32
      %add3A_1376 = vector.broadcast %add3A_1375 : i32 to vector<16xi32>
      %add3A_1377 = arith.addi %add3A_1374, %add3A_1376 : vector<16xi32>
      %mul3A_1378 = arith.muli %add3A_1374, %add3A_1377 : vector<16xi32>
      %shift_right_logical3A = arith.constant 1 : i32
      %shift_right_logical3A_1379 = vector.broadcast %shift_right_logical3A : i32 to vector<16xi32>
      %shift_right_logical3A_1380 = arith.shrui %mul3A_1378, %shift_right_logical3A_1379 : vector<16xi32>
      %min3A = arith.constant 6903 : i32
      %min3A_1381 = vector.broadcast %min3A : i32 to vector<16xi32>
      %min3A_1382 = arith.minsi %shift_right_logical3A_1380, %min3A_1381 : vector<16xi32>
      %scan3A = arith.constant 0 : i32
      %scan3A_1383 = arith.constant 118 : i32
      %scan3A_1384 = arith.addi %scan3A, %scan3A_1383 : i32
      %scan3A_1385 = arith.constant 1 : i32
      %scan3A_1386 = scf.for %scan3A_1391 = %scan3A to %scan3A_1384 step %scan3A_1385 iter_args(%scan3A_1392 = %broadcast_in_dim3A_0) -> (vector<16xf32>)  : i32 {
        %add3A_1393 = vector.broadcast %scan3A_1391 : i32 to vector<16xi32>
        %add3A_1394 = arith.addi %min3A_1382, %add3A_1393 : vector<16xi32>
        %gather3A_1395 = tpu.vector_load_idx %arg8[%add3A_1394] : memref<7040xf32, #tpu.memory_space<vmem>>[vector<16xi32>], vector<16xf32>,
        %broadcast_in_dim3A_1396 = arith.constant 0 : i32
        %broadcast_in_dim3A_1397 = vector.broadcast %broadcast_in_dim3A_1396 : i32 to vector<16xi32>
        %add3A_1398 = vector.broadcast %scan3A_1391 : i32 to vector<16xi32>
        %add3A_1399 = arith.addi %broadcast_in_dim3A_1397, %add3A_1398 : vector<16xi32>
        %gather3A_1400 = tpu.vector_load_idx %arg10[%add3A_1399] : memref<128xf32, #tpu.memory_space<vmem>>[vector<16xi32>], vector<16xf32>,
        %mul3A_1401 = arith.mulf %gather3A_1395, %gather3A_1400 : vector<16xf32>
        %add3A_1402 = arith.addf %scan3A_1392, %mul3A_1401 : vector<16xf32>
        scf.yield %add3A_1402 : vector<16xf32>
      }
      %scan3A_1387 = arith.constant 118 : i32
      %gather3A = tpu.vector_load_idx %arg10[%add3A_1374] : memref<128xf32, #tpu.memory_space<vmem>>[vector<16xi32>], vector<16xf32>,
      %mul3A_1388 = arith.mulf %scan3A_1386, %gather3A : vector<16xf32>
      %swap3A_1389 = arith.constant 0 : index
      %swap3A_1390 = tpu.vector_load %arg11[%swap3A_1389] {strides = array<i32>} : memref<16xf32, #tpu.memory_space<vmem>>, vector<16xf32>,
      tpu.vector_store %arg11[%swap3A_1389], %mul3A_1388 {strides = array<i32>} : memref<16xf32, #tpu.memory_space<vmem>>, vector<16xf32>,
      "tpu.region"() ({
        %run_scoped3A = tpu.sem_alloc : memref<!tpu.dma_semaphore, #tpu.memory_space<semaphore_mem>>
        %dma_start3A = arith.constant 0 : i32
        %dma_start3A_1391 = tpu.memref_slice %arg4[%arg1, %dma_start3A] : memref<8x16xf32, #tpu.memory_space<hbm>> -> memref<1x16xf32, #tpu.memory_space<hbm>>
        %dma_start3A_1392 = tpu.memref_squeeze %dma_start3A_1391 : memref<1x16xf32, #tpu.memory_space<hbm>> -> memref<16xf32, #tpu.memory_space<hbm>>
        %dma_start3A_1393 = arith.constant 0 : i32
        %dma_start3A_1394 = tpu.memref_slice %arg4[%arg1, %dma_start3A_1393] : memref<8x16xf32, #tpu.memory_space<hbm>> -> memref<1x16xf32, #tpu.memory_space<hbm>>
        %dma_start3A_1395 = tpu.memref_squeeze %dma_start3A_1394 : memref<1x16xf32, #tpu.memory_space<hbm>> -> memref<16xf32, #tpu.memory_space<hbm>>
        tpu.enqueue_dma source(%arg11 : memref<16xf32, #tpu.memory_space<vmem>>) target(%dma_start3A_1395 : memref<16xf32, #tpu.memory_space<hbm>>) target_semaphore(%run_scoped3A : memref<!tpu.dma_semaphore, #tpu.memory_space<semaphore_mem>>)
        %dma_wait3A = arith.constant 0 : i32
        %dma_wait3A_1396 = tpu.memref_slice %arg4[%arg1, %dma_wait3A] : memref<8x16xf32, #tpu.memory_space<hbm>> -> memref<1x16xf32, #tpu.memory_space<hbm>>
        %dma_wait3A_1397 = tpu.memref_squeeze %dma_wait3A_1396 : memref<1x16xf32, #tpu.memory_space<hbm>> -> memref<16xf32, #tpu.memory_space<hbm>>
        %dma_wait3A_1398 = arith.constant 0 : i32
        %dma_wait3A_1399 = tpu.memref_slice %arg4[%arg1, %dma_wait3A_1398] : memref<8x16xf32, #tpu.memory_space<hbm>> -> memref<1x16xf32, #tpu.memory_space<hbm>>
        %dma_wait3A_1400 = tpu.memref_squeeze %dma_wait3A_1399 : memref<1x16xf32, #tpu.memory_space<hbm>> -> memref<16xf32, #tpu.memory_space<hbm>>
        tpu.wait_dma2 semaphore(%run_scoped3A : memref<!tpu.dma_semaphore, #tpu.memory_space<semaphore_mem>>) src(%arg11 : memref<16xf32, #tpu.memory_space<vmem>>) dst(%dma_wait3A_1400 : memref<16xf32, #tpu.memory_space<hbm>>)
        tpu.yield
      }) : () -> ()
    } else {
    }
    return
  }
}

module attributes {stable_mosaic.version = 14 : i64} {
  func.func @_combine_kernel(%arg0: memref<4096x3xf32, #tpu.memory_space<vmem>>, %arg1: memref<8x16xf32, #tpu.memory_space<vmem>>, %arg2: memref<1x1xf32, #tpu.memory_space<vmem>>, %arg3: memref<1x1xf32, #tpu.memory_space<vmem>>) attributes {dimension_semantics = [], scalar_prefetch = 0 : i64, scratch_operands = 0 : i64, tpu.core_type = #tpu.core_type<tc>} {
    %get3A = arith.constant 0 : index
    %get3A_0 = arith.constant 0 : index
    %get3A_1 = vector.load %arg0[%get3A, %get3A_0] : memref<4096x3xf32, #tpu.memory_space<vmem>>, vector<4096x3xf32>
    %mul3A = arith.mulf %get3A_1, %get3A_1 : vector<4096x3xf32>
    %reduce_sum3A = vector.shape_cast %mul3A : vector<4096x3xf32> to vector<1x4096x3xf32>
    %reduce_sum3A_2 = arith.constant dense<0.000000e+00> : vector<1xf32>
    %reduce_sum3A_3 = vector.multi_reduction <add>, %reduce_sum3A, %reduce_sum3A_2 [1, 2] : vector<1x4096x3xf32> to vector<1xf32>
    %reduce_sum3A_4 = vector.shape_cast %reduce_sum3A_3 : vector<1xf32> to vector<1x1x1xf32>
    %reduce_sum3A_5 = vector.extract %reduce_sum3A_4[0, 0, 0] : f32 from vector<1x1x1xf32>
    %reduce_sum3A_6 = arith.constant dense<0.000000e+00> : vector<3xf32>
    %reduce_sum3A_7 = vector.multi_reduction <add>, %get3A_1, %reduce_sum3A_6 [0] : vector<4096x3xf32> to vector<3xf32>
    %broadcast_in_dim3A = vector.shape_cast %reduce_sum3A_7 : vector<3xf32> to vector<1x3xf32>
    %mul3A_8 = arith.constant 8.192000e+03 : f32
    %mul3A_9 = arith.mulf %mul3A_8, %reduce_sum3A_5 : f32
    %mul3A_10 = arith.mulf %broadcast_in_dim3A, %broadcast_in_dim3A : vector<1x3xf32>
    %reduce_sum3A_11 = vector.shape_cast %mul3A_10 : vector<1x3xf32> to vector<1x1x3xf32>
    %reduce_sum3A_12 = arith.constant dense<0.000000e+00> : vector<1xf32>
    %reduce_sum3A_13 = vector.multi_reduction <add>, %reduce_sum3A_11, %reduce_sum3A_12 [1, 2] : vector<1x1x3xf32> to vector<1xf32>
    %reduce_sum3A_14 = vector.shape_cast %reduce_sum3A_13 : vector<1xf32> to vector<1x1x1xf32>
    %reduce_sum3A_15 = vector.extract %reduce_sum3A_14[0, 0, 0] : f32 from vector<1x1x1xf32>
    %mul3A_16 = arith.constant 2.000000e+00 : f32
    %mul3A_17 = arith.mulf %mul3A_16, %reduce_sum3A_15 : f32
    %sub3A = arith.subf %mul3A_9, %mul3A_17 : f32
    %sqrt3A = math.sqrt %sub3A : f32
    %div3A = arith.constant 1.000000e+00 : f32
    %div3A_18 = arith.divf %div3A, %sqrt3A : f32
    %jit3A = arith.constant 0.000000e+00 : f32
    %ne3A = arith.cmpf one, %div3A_18, %div3A_18 : f32
    %select_n3A = arith.select %ne3A, %jit3A, %div3A_18 : f32
    %eq3A = arith.constant 0x7F800000 : f32
    %eq3A_19 = arith.cmpf oeq, %select_n3A, %eq3A : f32
    %jit3A_20 = arith.constant 3.40282347E+38 : f32
    %select_n3A_21 = arith.select %eq3A_19, %jit3A_20, %select_n3A : f32
    %eq3A_22 = arith.constant 0xFF800000 : f32
    %eq3A_23 = arith.cmpf oeq, %select_n3A_21, %eq3A_22 : f32
    %jit3A_24 = arith.constant -3.40282347E+38 : f32
    %select_n3A_25 = arith.select %eq3A_23, %jit3A_24, %select_n3A_21 : f32
    %get3A_26 = arith.constant 0 : index
    %get3A_27 = arith.constant 0 : index
    %get3A_28 = vector.load %arg1[%get3A_26, %get3A_27] : memref<8x16xf32, #tpu.memory_space<vmem>>, vector<8x16xf32>
    %reduce_sum3A_29 = vector.shape_cast %get3A_28 : vector<8x16xf32> to vector<1x8x16xf32>
    %reduce_sum3A_30 = arith.constant dense<0.000000e+00> : vector<1xf32>
    %reduce_sum3A_31 = vector.multi_reduction <add>, %reduce_sum3A_29, %reduce_sum3A_30 [1, 2] : vector<1x8x16xf32> to vector<1xf32>
    %reduce_sum3A_32 = vector.shape_cast %reduce_sum3A_31 : vector<1xf32> to vector<1x1x1xf32>
    %reduce_sum3A_33 = vector.extract %reduce_sum3A_32[0, 0, 0] : f32 from vector<1x1x1xf32>
    %mul3A_34 = arith.constant -2.310000e+05 : f32
    %mul3A_35 = arith.mulf %mul3A_34, %reduce_sum3A_33 : f32
    %mul3A_36 = arith.mulf %mul3A_35, %select_n3A_25 : f32
    %get3A_37 = arith.constant 0 : index
    %get3A_38 = arith.constant 0 : index
    %get3A_39 = vector.load %arg2[%get3A_37, %get3A_38] : memref<1x1xf32, #tpu.memory_space<vmem>>, vector<1x1xf32>
    %add3A = vector.broadcast %mul3A_36 : f32 to vector<1x1xf32>
    %add3A_40 = arith.addf %add3A, %get3A_39 : vector<1x1xf32>
    %swap3A = arith.constant 0 : index
    %swap3A_41 = arith.constant 0 : index
    %swap3A_42 = vector.load %arg3[%swap3A, %swap3A_41] : memref<1x1xf32, #tpu.memory_space<vmem>>, vector<1x1xf32>
    tpu.vector_store %arg3[%swap3A, %swap3A_41], %add3A_40 {strides = array<i32>} : memref<1x1xf32, #tpu.memory_space<vmem>>, vector<1x1xf32>,
    return
  }
}

</mosaic_0001>

<sc_bundles>
// kernel: kernel.4.cloned.1.call-start
scs
__scs_entry_jumppad:
0x0: {  	(pc) =	sbr.rel $0x88, $3  }
0x1: {  	(tag) =	ssettag $0x0;
	lr =	simm.s32 $0x1  }
0x2: {  	[smem:$0x3F9D] =	sst lr;
	_ =	strace $0xD0000000  }
0x3: {  	_ = 	snop  }
0x4: {  	_ = 	snop  }
0x5: {  	_ = 	snop  }
0x6: {  	_ = 	snop  }
0x7: {  	_ = 	snop  }
__scs_overlays_trampoline_lowered:
0x8: {  	[smem:$0x3FAC] =	sst s0  }
0x9: {  	[smem:$0x3FAD] =	sst s1  }
0xa: {  	[smem:$0x3FAE] =	sst s2  }
0xb: {  	[smem:$0x3FAF] =	sst s3  }
0xc: {  	[smem:$0x3FB0] =	sst s4  }
0xd: {  	[smem:$0x3FB1] =	sst s5  }
0xe: {  	[smem:$0x3FB2] =	sst s6  }
0xf: {  	[smem:$0x3FB3] =	sst s7  }
0x10: {  	[smem:$0x3FB4] =	sst s8  }
0x11: {  	[smem:$0x3FB5] =	sst s9;
	s0 =	simm.s32 @!p0 $0x0  }
0x12: {  	s1 =	sld [smem:$0x3F9B];
	s0 =	simm.s32 @p0 $0x1  }
0x13: {  	[smem:$0x3FB6] =	sst s0;
	s0 =	simm.s32 @!p1 $0x0  }
0x14: {  	s2 =	sld [smem:$0x3F9A];
	s0 =	simm.s32 @p1 $0x1  }
0x15: {  	[smem:$0x3FB7] =	sst s0;
	s0 =	simm.s32 @!p2 $0x0  }
0x16: {  	s3 =	sld [smem:$0x3FDB];
	s0 =	simm.s32 @p2 $0x1  }
0x17: {  	s4 =	simm.s32 $0x1BF5;
	[smem:$0x3FB9] =	sst s0  }
0x18: {  	s0 =	sld [smem:$0x3F9C];
	_ =	swait.ge [sflag:s4], $0x0  }
0x19: {  	s7 =	sld [smem:$0x3F9D]  }
0x1a: {  	s8 =	sadd.s32 $0xFFFFE003, lr  }
0x1b: {  	s9 =	sadd.s32 $0xFFFFFEF7, lr;
	s5 =	simm.s32 $0xFFFFFFFF;
	p2 =	slt.u32 s8, $0xFFFFF086  }
0x1c: {  	p1 =	slt.u32 s9, $0xF7A;
	s5 =	simm.s32 @!p2 $0x0  }
0x1d: {  	s5 =	simm.s32 @p1 $0x1;
	p0 =	seq.s32 s7, s2  }
0x1e: {  	s7 =	smul.u32 @!p0 $0xF7A, s2;
	p2 =	seq.s32 @!p0 s5, $0x0  }
0x1f: {  	s9 =	smul.u32 $0xF7A, s1;
	s8 =	simm.s32 @!p0 $0x1BF5;
	p2 =	por !p2, p0  }
0x20: {  	[sflag:s8] =	ssyncset.s32 @!p0 $0xFFFFF086;
	s6 =	sadd.s32 @!p0 s3, s7;
	s7 =	simm.s32 @!p0 $0x108  }
0x21: {  	s3 =	sadd.s32 s3, s9;
	s6 =	sadd.s32 @!p0 $0x88, s6;
	s7 =	simm.s32 @p2 $0x1082  }
0x22: {  	[simem:s7], [sflag:s8] =	dma.local @!p0 [hbm:s6], $0xF7A  }
0x23: {  	s9 =	sor.u32 $0xD0000000, s2;
	s6 =	simm.s32 $0x108;
	_ =	swait.ge @!p0 [sflag:s8], $0x0  }
0x24: {  	s3 =	sadd.s32 $0x88, s3;
	s6 =	simm.s32 @!p1 $0x1082;
	[sflag:s4] =	ssyncset.s32 $0xFFFFF086  }
0x25: {  	[simem:s6], [sflag:s4] =	dma.local [hbm:s3], $0xF7A  }
0x26: {  	[smem:$0x3F9D] =	sst s1;
	(tag) =	ssettag s2;
	_ =	strace s9  }
0x27: {  	s1 =	sld [smem:$0x3FAD]  }
0x28: {  	s2 =	sld [smem:$0x3FAE]  }
0x29: {  	s4 =	sld [smem:$0x3FB0]  }
0x2a: {  	p0 =	seq.s32 s5, $0x0;
	s5 =	sld [smem:$0x3FB1]  }
0x2b: {  	s6 =	sld [smem:$0x3FB2]  }
0x2c: {  	s7 =	sld [smem:$0x3FB3]  }
0x2d: {  	s3 =	simm.s32 $0x108;
	s8 =	sld [smem:$0x3FB4]  }
0x2e: {  	s3 =	simm.s32 @!p0 $0x1082;
	s9 =	sld [smem:$0x3FB5]  }
0x2f: {  	lr =	sadd.s32 s0, s3;
	s0 =	sld [smem:$0x3FAC]  }
0x30: {  	s3 =	sld [smem:$0x3FAF]  }
0x31: {  	[smem:$0x3FB8] =	sst s10  }
0x32: {  	s10 =	sld [smem:$0x3FB6];
	_ =	sdelay $0x3  }
0x33: {  	p0 =	seq.s32 s10, $0x1;
	s10 =	sld [smem:$0x3FB8];
	_ =	sdelay $0x3  }
0x34: {  	[smem:$0x3FB8] =	sst s10  }
0x35: {  	s10 =	sld [smem:$0x3FB7];
	_ =	sdelay $0x3  }
0x36: {  	p1 =	seq.s32 s10, $0x1;
	s10 =	sld [smem:$0x3FB8];
	_ =	sdelay $0x3  }
0x37: {  	[smem:$0x3FB8] =	sst s10  }
0x38: {  	s10 =	sld [smem:$0x3FB9]  }
0x39: {  	_ = 	snop;
	(pc) =	sbr.ind lr, $3  }
0x3a: {  	_ = 	snop  }
0x3b: {  	_ = 	snop  }
0x3c: {  	p2 =	seq.s32 s10, $0x1;
	s10 =	sld [smem:$0x3FB8]  }
0x3d: {  	_ =	shalt  }
0x3e: {  	_ =	shalt  }
0x3f: {  	_ =	shalt  }
0x40: {  	_ =	shalt  }
0x41: {  	_ =	shalt  }
0x42: {  	_ =	shalt  }
0x43: {  	_ =	shalt  }
0x44: {  	_ =	shalt  }
0x45: {  	_ =	shalt  }
0x46: {  	_ =	shalt  }
0x47: {  	_ =	shalt  }
0x48: {  	_ =	shalt  }
0x49: {  	_ =	shalt  }
0x4a: {  	_ =	shalt  }
0x4b: {  	_ =	shalt  }
0x4c: {  	_ =	shalt  }
0x4d: {  	_ =	shalt  }
0x4e: {  	_ =	shalt  }
0x4f: {  	_ =	shalt  }
0x50: {  	_ =	shalt  }
0x51: {  	_ =	shalt  }
0x52: {  	_ =	shalt  }
0x53: {  	_ =	shalt  }
0x54: {  	_ =	shalt  }
0x55: {  	_ =	shalt  }
0x56: {  	_ =	shalt  }
0x57: {  	_ =	shalt  }
0x58: {  	_ =	shalt  }
0x59: {  	_ =	shalt  }
0x5a: {  	_ =	shalt  }
0x5b: {  	_ =	shalt  }
0x5c: {  	_ =	shalt  }
0x5d: {  	_ =	shalt  }
0x5e: {  	_ =	shalt  }
0x5f: {  	_ =	shalt  }
0x60: {  	_ =	shalt  }
0x61: {  	_ =	shalt  }
0x62: {  	_ =	shalt  }
0x63: {  	_ =	shalt  }
0x64: {  	_ =	shalt  }
0x65: {  	_ =	shalt  }
0x66: {  	_ =	shalt  }
0x67: {  	_ =	shalt  }
0x68: {  	_ =	shalt  }
0x69: {  	_ =	shalt  }
0x6a: {  	_ =	shalt  }
0x6b: {  	_ =	shalt  }
0x6c: {  	_ =	shalt  }
0x6d: {  	_ =	shalt  }
0x6e: {  	_ =	shalt  }
0x6f: {  	_ =	shalt  }
0x70: {  	_ =	shalt  }
0x71: {  	_ =	shalt  }
0x72: {  	_ =	shalt  }
0x73: {  	_ =	shalt  }
0x74: {  	_ =	shalt  }
0x75: {  	_ =	shalt  }
0x76: {  	_ =	shalt  }
0x77: {  	_ =	shalt  }
0x78: {  	_ =	shalt  }
0x79: {  	_ =	shalt  }
0x7a: {  	_ =	shalt  }
0x7b: {  	_ =	shalt  }
0x7c: {  	_ =	shalt  }
0x7d: {  	_ =	shalt  }
0x7e: {  	_ =	shalt  }
0x7f: {  	_ =	shalt  }
0x80: {  	_ =	shalt  }
0x81: {  	_ =	shalt  }
0x82: {  	_ =	shalt  }
0x83: {  	_ =	shalt  }
0x84: {  	_ =	shalt  }
0x85: {  	_ =	shalt  }
0x86: {  	_ =	shalt  }
0x87: {  	_ =	shalt  }
.Lfunc_end0:
.L_simem_size_0:
called_computation_lowered:
.L_overlay_start_0:
0x88: {  	s0 =	sld [smem:$0x3FD9]  }
0x89: {  	s1 =	sld [smem:$0x3FFE];
	_ =	sdelay $0x3  }
0x8a: {  	s0 =	sadd.s32 s1, s0  }
0x8b: {  	[smem:$0x3FC4] =	sst s0  }
0x8c: {  	_ = 	snop  }
0x8d: {  	s0 =	sld [smem:$0x3FC8];
	(tm) =	ssettm $0x1  }
0x8e: {  	s16 =	sld [smem:$0x3FFB];
	_ =	sdelay $0x3  }
0x8f: {  	_ =	strace s16  }
0x90: {  	s1 =	sld [smem:$0x3FFC];
	_ =	sdelay $0x3  }
0x91: {  	_ =	strace s1  }
0x92: {  	s1 =	sld [smem:$0x3FFD];
	_ =	sdelay $0x3  }
0x93: {  	_ =	strace s1  }
0x94: {  	_ =	strace $0x8FFFFFFF  }
0x95: {  	s17 =	sld [smem:$0x3FDB];
	_ =	sdelay $0x1  }
0x96: {  	s2 =	simm.s32 $_scs_section_size  }
0x97: {  	s3 =	simm.s32 $_size__tile_overlayer_lowered;
	s4 =	simm.s32 $_tile_overlayer_lowered  }
0x98: {  	s20 =	simm.s32 $0x1BFF;
	s19 =	sshll.u32 s4, $0x1;
	s1 =	sadd.s32 s2, s17  }
0x99: {  	s5 =	simm.s32 $0x0;
	s18 =	sshll.u32 s3, $0x1;
	s3 =	sadd.s32 s19, s1  }
0x9a: {  	[timem:s5], [sflag:s20] =	dma.local [hbm:s3], s18  }
0x9b: {  	_ =	swait.ge [sflag:s20], s18  }
0x9c: {  	s2 =	ssub.s32 $0x0, s18;
	[sflag:s20] =	ssyncset.done $0x0  }
0x9d: {  	[sflag:s20] =	ssyncadd.s32 s2;
	_ =	sdelay $0x1  }
0x9e: {  	s21 =	simm.s32 $0x1B8B  }
0x9f: {  	_ =	swait.ge [sflag:s21], $0x1  }
0xa0: {  	[sflag:s21] =	ssyncset.done $0x0  }
0xa1: {  	s23 =	simm.s32 $0x1B8E;
	s22 =	sld [smem:$0x3FFE];
	[sflag:s21] =	ssyncadd.s32 $0xFFFFFFFF  }
0xa2: {  	s24 =	simm.s32 $execute0_lowered;
	[smem:$0x3FD2] =	sst s23  }
0xa3: {  	s3 =	sshll.u32 s24, $0x1;
	_ =	strace $0x80000046;
	[dreg:$0x1] =	wrdreg $0xFFFFFFFF  }
0xa4: {  	s25 =	simm.s32 $_size_execute0_lowered;
	s1 =	sadd.s32 s1, s3;
	[dreg:$0x0] =	wrdreg $0x0  }
0xa5: {  	s3 =	sshll.u32 s25, $0x1;
	[dreg:$0x2] =	wrdreg s1  }
0xa6: {  	[dreg:$0x3] =	wrdreg s3  }
0xa7: {  	[dreg:$0x4] =	wrdreg $0xC0  }
0xa8: {  	_ =	task [dreg:s5], $0x5FFFF  }
0xa9: {  	[dreg:$0x1] =	wrdreg $0xFFFFFFFF  }
0xaa: {  	[dreg:$0x0] =	wrdreg $0x60  }
0xab: {  	[dreg:$0x2] =	wrdreg s0  }
0xac: {  	[dreg:$0x3] =	wrdreg s22  }
0xad: {  	[dreg:$0x4] =	wrdreg $0x2E000  }
0xae: {  	[dreg:$0x5] =	wrdreg $0x9  }
0xaf: {  	_ =	task.clear_ibuf [dreg:s5], $0x6FFFF;
	_ =	strace $0x90000046  }
0xb0: {  	s26 =	simm.s32 $0x9;
	_ =	strace $0x80000048  }
0xb1: {  	_ =	swait.ge [sflag:s26], $0x1  }
0xb2: {  	[sflag:s26] =	ssyncadd.s32 $0xFFFFFFFF  }
0xb3: {  	_ =	strace $0x90000048  }
0xb4: {  	_ =	sfence  }
0xb5: {  	s28 =	sld [smem:$0x0];
	_ =	sdelay $0x1  }
0xb6: {  	s29 =	srdreg.scid  }
0xb7: {  	s30 =	sshll.u32 s29, $0xD;
	s31 =	sshrl.u32 s29, $0x2  }
0xb8: {  	s2 =	sand.u32 $0x4000, s30;
	s1 =	sand.u32 $0x1, s29;
	s0 =	sadd.s32 s31, s28  }
0xb9: {  	s1 =	sor.u32 s2, s1;
	s0 =	sshll.u32 s0, $0x11  }
0xba: {  	s0 =	sor.u32 s0, s1  }
0xbb: {  	s0 =	sadd.s32 $0x8F2B, s0  }
0xbc: {  	[sflag:s0] =	ssyncadd.remote.s32 $0x1  }
0xbd: {  	_ =	sfence.sel $0xFFFF  }
0xbe: {  	[dreg:$0x0] =	wrdreg $0xFFFFFFFF;
	(pc) =	sbr.abs _section_cstart, $3  }
0xbf: {  	[dreg:$0x1] =	wrdreg $0xFFFFFFFF  }
0xc0: {  	_ =	task.clear_ibuf [dreg:s5], $0x2FFFF;
	_ =	strace $0x9FFFFFFF  }
0xc1: {  	(tm) =	ssettm $0x7FFFFFFF  }
tec
execute0_lowered:
.L_overlay_start_1:
0x0: {  	(tag) =	ssettag $0x1  }
0x1: {  	s5 =	rddreg [dreg:$0x0]  }
0x2: {  	s2 =	rddreg [dreg:$0x1]  }
0x3: {  	s4 =	rddreg [dreg:$0x2]  }
0x4: {  	s0 =	rddreg [dreg:$0x3];
	s3 =	simm.s32 $0x0;
	s1 =	stileid.u32  }
0x5: {  	[smem:$0x7FF] =	sst s3;
	p0 =	sgt.u32 s1, $0x7;
	s6 =	sadd.s32 $0x600, s2  }
0x6: {  	_ =	strace $0x80000047;
	s7 =	simm.s32 @!p0 $0x0;
	s8 =	simm.s32 @!p0 $0x980  }
0x7: {  	v0 =	vimm.f32 $0.0e+00;
	[tilespmem:s8], [sflag:$0x1] =	stream.linear.gather @!p0 [hbm4b:s6+s7], $0x1B80, $0x38;
	[tilespmem:$0x2E80] =	vst v63  }
0x8: {  	[tilespmem:$0x100] =	vst v0  }
0x9: {  	[tilespmem:$0x110] =	vst v0  }
0xa: {  	[tilespmem:$0x120] =	vst v0  }
0xb: {  	[tilespmem:$0x130] =	vst v0  }
0xc: {  	[tilespmem:$0x140] =	vst v0  }
0xd: {  	[tilespmem:$0x150] =	vst v0  }
0xe: {  	[tilespmem:$0x160] =	vst v0  }
0xf: {  	[tilespmem:$0x170] =	vst v0  }
0x10: {  	[tilespmem:$0x180] =	vst v0  }
0x11: {  	[tilespmem:$0x190] =	vst v0  }
0x12: {  	[tilespmem:$0x1A0] =	vst v0  }
0x13: {  	[tilespmem:$0x1B0] =	vst v0  }
0x14: {  	[tilespmem:$0x1C0] =	vst v0  }
0x15: {  	[tilespmem:$0x1D0] =	vst v0  }
0x16: {  	[tilespmem:$0x1E0] =	vst v0  }
0x17: {  	[tilespmem:$0x1F0] =	vst v0  }
0x18: {  	[tilespmem:$0x200] =	vst v0  }
0x19: {  	[tilespmem:$0x210] =	vst v0  }
0x1a: {  	[tilespmem:$0x220] =	vst v0  }
0x1b: {  	[tilespmem:$0x230] =	vst v0  }
0x1c: {  	[tilespmem:$0x240] =	vst v0  }
0x1d: {  	[tilespmem:$0x250] =	vst v0  }
0x1e: {  	[tilespmem:$0x260] =	vst v0  }
0x1f: {  	[tilespmem:$0x270] =	vst v0  }
0x20: {  	[tilespmem:$0x280] =	vst v0  }
0x21: {  	[tilespmem:$0x290] =	vst v0  }
0x22: {  	[tilespmem:$0x2A0] =	vst v0  }
0x23: {  	[tilespmem:$0x2B0] =	vst v0  }
0x24: {  	[tilespmem:$0x2C0] =	vst v0  }
0x25: {  	[tilespmem:$0x2D0] =	vst v0  }
0x26: {  	[tilespmem:$0x2E0] =	vst v0  }
0x27: {  	[tilespmem:$0x2F0] =	vst v0  }
0x28: {  	[tilespmem:$0x300] =	vst v0  }
0x29: {  	[tilespmem:$0x310] =	vst v0  }
0x2a: {  	[tilespmem:$0x320] =	vst v0  }
0x2b: {  	[tilespmem:$0x330] =	vst v0  }
0x2c: {  	[tilespmem:$0x340] =	vst v0  }
0x2d: {  	[tilespmem:$0x350] =	vst v0  }
0x2e: {  	[tilespmem:$0x360] =	vst v0  }
0x2f: {  	[tilespmem:$0x370] =	vst v0  }
0x30: {  	[tilespmem:$0x380] =	vst v0  }
0x31: {  	[tilespmem:$0x390] =	vst v0  }
0x32: {  	[tilespmem:$0x3A0] =	vst v0  }
0x33: {  	[tilespmem:$0x3B0] =	vst v0  }
0x34: {  	[tilespmem:$0x3C0] =	vst v0  }
0x35: {  	[tilespmem:$0x3D0] =	vst v0  }
0x36: {  	[tilespmem:$0x3E0] =	vst v0  }
0x37: {  	[tilespmem:$0x3F0] =	vst v0  }
0x38: {  	[tilespmem:$0x400] =	vst v0  }
0x39: {  	[tilespmem:$0x410] =	vst v0  }
0x3a: {  	[tilespmem:$0x420] =	vst v0  }
0x3b: {  	[tilespmem:$0x430] =	vst v0  }
0x3c: {  	[tilespmem:$0x440] =	vst v0  }
0x3d: {  	[tilespmem:$0x450] =	vst v0  }
0x3e: {  	[tilespmem:$0x460] =	vst v0  }
0x3f: {  	[tilespmem:$0x470] =	vst v0  }
0x40: {  	[tilespmem:$0x480] =	vst v0  }
0x41: {  	[tilespmem:$0x490] =	vst v0  }
0x42: {  	[tilespmem:$0x4A0] =	vst v0  }
0x43: {  	[tilespmem:$0x4B0] =	vst v0  }
0x44: {  	[tilespmem:$0x4C0] =	vst v0  }
0x45: {  	[tilespmem:$0x4D0] =	vst v0  }
0x46: {  	[tilespmem:$0x4E0] =	vst v0  }
0x47: {  	[tilespmem:$0x4F0] =	vst v0  }
0x48: {  	[tilespmem:$0x500] =	vst v0  }
0x49: {  	[tilespmem:$0x510] =	vst v0  }
0x4a: {  	[tilespmem:$0x520] =	vst v0  }
0x4b: {  	[tilespmem:$0x530] =	vst v0  }
0x4c: {  	[tilespmem:$0x540] =	vst v0  }
0x4d: {  	[tilespmem:$0x550] =	vst v0  }
0x4e: {  	[tilespmem:$0x560] =	vst v0  }
0x4f: {  	[tilespmem:$0x570] =	vst v0  }
0x50: {  	[tilespmem:$0x580] =	vst v0  }
0x51: {  	[tilespmem:$0x590] =	vst v0  }
0x52: {  	[tilespmem:$0x5A0] =	vst v0  }
0x53: {  	[tilespmem:$0x5B0] =	vst v0  }
0x54: {  	[tilespmem:$0x5C0] =	vst v0  }
0x55: {  	[tilespmem:$0x5D0] =	vst v0  }
0x56: {  	[tilespmem:$0x5E0] =	vst v0  }
0x57: {  	[tilespmem:$0x5F0] =	vst v0  }
0x58: {  	[tilespmem:$0x600] =	vst v0  }
0x59: {  	[tilespmem:$0x610] =	vst v0  }
0x5a: {  	[tilespmem:$0x620] =	vst v0  }
0x5b: {  	[tilespmem:$0x630] =	vst v0  }
0x5c: {  	[tilespmem:$0x640] =	vst v0  }
0x5d: {  	[tilespmem:$0x650] =	vst v0  }
0x5e: {  	[tilespmem:$0x660] =	vst v0  }
0x5f: {  	[tilespmem:$0x670] =	vst v0  }
0x60: {  	[tilespmem:$0x680] =	vst v0  }
0x61: {  	[tilespmem:$0x690] =	vst v0  }
0x62: {  	[tilespmem:$0x6A0] =	vst v0  }
0x63: {  	[tilespmem:$0x6B0] =	vst v0  }
0x64: {  	[tilespmem:$0x6C0] =	vst v0  }
0x65: {  	[tilespmem:$0x6D0] =	vst v0  }
0x66: {  	[tilespmem:$0x6E0] =	vst v0  }
0x67: {  	[tilespmem:$0x6F0] =	vst v0  }
0x68: {  	[tilespmem:$0x700] =	vst v0  }
0x69: {  	[tilespmem:$0x710] =	vst v0  }
0x6a: {  	[tilespmem:$0x720] =	vst v0  }
0x6b: {  	[tilespmem:$0x730] =	vst v0  }
0x6c: {  	[tilespmem:$0x740] =	vst v0  }
0x6d: {  	[tilespmem:$0x750] =	vst v0  }
0x6e: {  	[tilespmem:$0x760] =	vst v0  }
0x6f: {  	[tilespmem:$0x770] =	vst v0  }
0x70: {  	[tilespmem:$0x780] =	vst v0  }
0x71: {  	[tilespmem:$0x790] =	vst v0  }
0x72: {  	[tilespmem:$0x7A0] =	vst v0  }
0x73: {  	[tilespmem:$0x7B0] =	vst v0  }
0x74: {  	[tilespmem:$0x7C0] =	vst v0  }
0x75: {  	[tilespmem:$0x7D0] =	vst v0  }
0x76: {  	[tilespmem:$0x7E0] =	vst v0  }
0x77: {  	[tilespmem:$0x7F0] =	vst v0  }
0x78: {  	[tilespmem:$0x800] =	vst v0  }
0x79: {  	[tilespmem:$0x810] =	vst v0  }
0x7a: {  	[tilespmem:$0x820] =	vst v0  }
0x7b: {  	[tilespmem:$0x830] =	vst v0  }
0x7c: {  	[tilespmem:$0x840] =	vst v0  }
0x7d: {  	[tilespmem:$0x850] =	vst v0  }
0x7e: {  	[tilespmem:$0x860] =	vst v0  }
0x7f: {  	[tilespmem:$0x870] =	vst v0  }
0x80: {  	[tilespmem:$0x880] =	vst v0  }
0x81: {  	[tilespmem:$0x890] =	vst v0  }
0x82: {  	[tilespmem:$0x8A0] =	vst v0  }
0x83: {  	[tilespmem:$0x8B0] =	vst v0  }
0x84: {  	[tilespmem:$0x8C0] =	vst v0  }
0x85: {  	[tilespmem:$0x8D0] =	vst v0  }
0x86: {  	s28 =	sshll.u32 s1, $0x5;
	[tilespmem:$0x8E0] =	vst v0  }
0x87: {  	s5 =	sadd.s32 s5, s28;
	[tilespmem:$0x8F0] =	vst v0  }
0x88: {  	[tilespmem:s3], [sflag:$0x2] =	stream.linear.gather [hbm4b:s5+s3], $0x100, $0x38;
	[tilespmem:$0x2E80] =	vst v63  }
0x89: {  	s5 =	simm.s32 $0x2  }
0x8a: {  	_ =	swait.ge [sflag:s5], $0x100  }
0x8b: {  	[sflag:s5] =	ssyncset.done $0x0  }
0x8c: {  	[sflag:s5] =	ssyncadd.s32 $0xFFFFFF00  }
0x8d: {  	v2 =	vld [tilespmem:$0x0];
	_ =	sdelay $0x1  }
0x8e: {  	v1 =	vlaneseq.u32  }
0x8f: {  	v3 =	vmul.u32 $0x80, v1;
	_ =	sdelay $0x1  }
0x90: {  	v2 =	vadd.s32 v3, v2;
	_ =	sdelay $0x3  }
0x91: {  	v4 =	vimm.f32 $1.000000000e+00;
	s29 =	simm.s32 $0x100  }
0x92: {  	[tilespmem:v2+s29+$0x0] =	vst.idx.add.f32.msk $0xffff, v4  }
0x93: {  	v2 =	vld [tilespmem:$0x10];
	_ =	sdelay $0x4  }
0x94: {  	v2 =	vadd.s32 v3, v2;
	_ =	sdelay $0x4  }
0x95: {  	[tilespmem:v2+s29+$0x0] =	vst.idx.add.f32.msk $0xffff, v4  }
0x96: {  	v2 =	vld [tilespmem:$0x20];
	_ =	sdelay $0x4  }
0x97: {  	v2 =	vadd.s32 v3, v2;
	_ =	sdelay $0x4  }
0x98: {  	[tilespmem:v2+s29+$0x0] =	vst.idx.add.f32.msk $0xffff, v4  }
0x99: {  	v2 =	vld [tilespmem:$0x30];
	_ =	sdelay $0x4  }
0x9a: {  	v2 =	vadd.s32 v3, v2;
	_ =	sdelay $0x4  }
0x9b: {  	[tilespmem:v2+s29+$0x0] =	vst.idx.add.f32.msk $0xffff, v4  }
0x9c: {  	v2 =	vld [tilespmem:$0x40];
	_ =	sdelay $0x4  }
0x9d: {  	v2 =	vadd.s32 v3, v2;
	_ =	sdelay $0x4  }
0x9e: {  	[tilespmem:v2+s29+$0x0] =	vst.idx.add.f32.msk $0xffff, v4  }
0x9f: {  	v2 =	vld [tilespmem:$0x50];
	_ =	sdelay $0x4  }
0xa0: {  	v2 =	vadd.s32 v3, v2;
	_ =	sdelay $0x4  }
0xa1: {  	[tilespmem:v2+s29+$0x0] =	vst.idx.add.f32.msk $0xffff, v4  }
0xa2: {  	v2 =	vld [tilespmem:$0x60];
	_ =	sdelay $0x4  }
0xa3: {  	v2 =	vadd.s32 v3, v2;
	_ =	sdelay $0x4  }
0xa4: {  	[tilespmem:v2+s29+$0x0] =	vst.idx.add.f32.msk $0xffff, v4  }
0xa5: {  	v2 =	vld [tilespmem:$0x70];
	_ =	sdelay $0x4  }
0xa6: {  	v2 =	vadd.s32 v3, v2;
	_ =	sdelay $0x4  }
0xa7: {  	[tilespmem:v2+s29+$0x0] =	vst.idx.add.f32.msk $0xffff, v4  }
0xa8: {  	v2 =	vld [tilespmem:$0x80];
	_ =	sdelay $0x4  }
0xa9: {  	v2 =	vadd.s32 v3, v2;
	_ =	sdelay $0x4  }
0xaa: {  	[tilespmem:v2+s29+$0x0] =	vst.idx.add.f32.msk $0xffff, v4  }
0xab: {  	v2 =	vld [tilespmem:$0x90];
	_ =	sdelay $0x4  }
0xac: {  	v2 =	vadd.s32 v3, v2;
	_ =	sdelay $0x4  }
0xad: {  	[tilespmem:v2+s29+$0x0] =	vst.idx.add.f32.msk $0xffff, v4  }
0xae: {  	v2 =	vld [tilespmem:$0xA0];
	_ =	sdelay $0x4  }
0xaf: {  	v2 =	vadd.s32 v3, v2;
	_ =	sdelay $0x4  }
0xb0: {  	[tilespmem:v2+s29+$0x0] =	vst.idx.add.f32.msk $0xffff, v4  }
0xb1: {  	v2 =	vld [tilespmem:$0xB0];
	_ =	sdelay $0x4  }
0xb2: {  	v2 =	vadd.s32 v3, v2;
	_ =	sdelay $0x4  }
0xb3: {  	[tilespmem:v2+s29+$0x0] =	vst.idx.add.f32.msk $0xffff, v4  }
0xb4: {  	v2 =	vld [tilespmem:$0xC0];
	_ =	sdelay $0x4  }
0xb5: {  	v2 =	vadd.s32 v3, v2;
	_ =	sdelay $0x4  }
0xb6: {  	[tilespmem:v2+s29+$0x0] =	vst.idx.add.f32.msk $0xffff, v4  }
0xb7: {  	v2 =	vld [tilespmem:$0xD0];
	_ =	sdelay $0x4  }
0xb8: {  	v2 =	vadd.s32 v3, v2;
	_ =	sdelay $0x4  }
0xb9: {  	[tilespmem:v2+s29+$0x0] =	vst.idx.add.f32.msk $0xffff, v4  }
0xba: {  	v2 =	vld [tilespmem:$0xE0];
	_ =	sdelay $0x4  }
0xbb: {  	v2 =	vadd.s32 v3, v2;
	_ =	sdelay $0x4  }
0xbc: {  	[tilespmem:v2+s29+$0x0] =	vst.idx.add.f32.msk $0xffff, v4  }
0xbd: {  	v2 =	vld [tilespmem:$0xF0];
	_ =	sdelay $0x4  }
0xbe: {  	v2 =	vadd.s32 v3, v2;
	_ =	sdelay $0x4  }
0xbf: {  	[tilespmem:v2+s29+$0x0] =	vst.idx.add.f32.msk $0xffff, v4  }
0xc0: {  	v2 =	vld [tilespmem:$0x100]  }
0xc1: {  	v3 =	vld [tilespmem:$0x180]  }
0xc2: {  	v4 =	vld [tilespmem:$0x200]  }
0xc3: {  	v6 =	vld [tilespmem:$0x280]  }
0xc4: {  	v7 =	vld [tilespmem:$0x300]  }
0xc5: {  	v12 =	vld [tilespmem:$0x380]  }
0xc6: {  	v13 =	vld [tilespmem:$0x400]  }
0xc7: {  	v14 =	vld [tilespmem:$0x480]  }
0xc8: {  	v15 =	vld [tilespmem:$0x500]  }
0xc9: {  	v17 =	vld [tilespmem:$0x580]  }
0xca: {  	v19 =	vld [tilespmem:$0x600]  }
0xcb: {  	v33 =	vld [tilespmem:$0x680]  }
0xcc: {  	v1 =	vld [tilespmem:$0x700]  }
0xcd: {  	v9 =	vld [tilespmem:$0x110]  }
0xce: {  	v11 =	vld [tilespmem:$0x190]  }
0xcf: {  	v20 =	vld [tilespmem:$0x210]  }
0xd0: {  	v21 =	vld [tilespmem:$0x290]  }
0xd1: {  	v22 =	vld [tilespmem:$0x310]  }
0xd2: {  	v23 =	vld [tilespmem:$0x390]  }
0xd3: {  	v24 =	vld [tilespmem:$0x410]  }
0xd4: {  	v25 =	vld [tilespmem:$0x490]  }
0xd5: {  	v26 =	vld [tilespmem:$0x510]  }
0xd6: {  	v27 =	vld [tilespmem:$0x590]  }
0xd7: {  	v28 =	vld [tilespmem:$0x610]  }
0xd8: {  	v29 =	vld [tilespmem:$0x690]  }
0xd9: {  	v30 =	vld [tilespmem:$0x710]  }
0xda: {  	v32 =	vld [tilespmem:$0x790]  }
0xdb: {  	v34 =	vld [tilespmem:$0x120]  }
0xdc: {  	v35 =	vld [tilespmem:$0x1A0]  }
0xdd: {  	v36 =	vld [tilespmem:$0x220]  }
0xde: {  	v37 =	vld [tilespmem:$0x2A0]  }
0xdf: {  	v38 =	vld [tilespmem:$0x320]  }
0xe0: {  	v39 =	vld [tilespmem:$0x3A0]  }
0xe1: {  	v40 =	vld [tilespmem:$0x420]  }
0xe2: {  	v41 =	vld [tilespmem:$0x4A0]  }
0xe3: {  	v42 =	vld [tilespmem:$0x520]  }
0xe4: {  	v43 =	vld [tilespmem:$0x5A0]  }
0xe5: {  	v44 =	vld [tilespmem:$0x620]  }
0xe6: {  	v45 =	vld [tilespmem:$0x6A0]  }
0xe7: {  	v46 =	vld [tilespmem:$0x720]  }
0xe8: {  	v47 =	vld [tilespmem:$0x7A0]  }
0xe9: {  	v48 =	vld [tilespmem:$0x820]  }
0xea: {  	v49 =	vld [tilespmem:$0x8A0]  }
0xeb: {  	v50 =	vld [tilespmem:$0x130]  }
0xec: {  	v51 =	vld [tilespmem:$0x1B0]  }
0xed: {  	v52 =	vld [tilespmem:$0x230]  }
0xee: {  	v53 =	vld [tilespmem:$0x2B0]  }
0xef: {  	v54 =	vld [tilespmem:$0x330]  }
0xf0: {  	v55 =	vld [tilespmem:$0x3B0]  }
0xf1: {  	v56 =	vld [tilespmem:$0x430]  }
0xf2: {  	v57 =	vld [tilespmem:$0x4B0]  }
0xf3: {  	v58 =	vld [tilespmem:$0x530]  }
0xf4: {  	v59 =	vld [tilespmem:$0x5B0]  }
0xf5: {  	v60 =	vld [tilespmem:$0x630]  }
0xf6: {  	v61 =	vld [tilespmem:$0x6B0]  }
0xf7: {  	v62 =	vld [tilespmem:$0x730]  }
0xf8: {  	v63 =	vld [tilespmem:$0x7B0]  }
0xf9: {  	v8 =	vld [tilespmem:$0x8B0]  }
0xfa: {  	v5 =	vld [tilespmem:$0x140]  }
0xfb: {  	v10 =	vld [tilespmem:$0x1C0]  }
0xfc: {  	v16 =	vld [tilespmem:$0x240]  }
0xfd: {  	v18 =	vld [tilespmem:$0x2C0]  }
0xfe: {  	v31 =	vld [tilespmem:$0x340];
	v2 =	vadd.f32 $0.0e+00, v2  }
0xff: {  	[tilespmem:$0x1FFA0] =	vst v1;
	v1 =	vld [tilespmem:$0x780];
	v9 =	vadd.f32 $0.0e+00, v9  }
0x100: {  	v2 =	vadd.f32 v3, v2;
	v3 =	vadd.f32 $0.0e+00, v34;
	v34 =	vld [tilespmem:$0x3C0]  }
0x101: {  	v9 =	vadd.f32 v11, v9;
	v11 =	vadd.f32 $0.0e+00, v50;
	v50 =	vld [tilespmem:$0x440]  }
0x102: {  	v3 =	vadd.f32 v35, v3;
	v35 =	vld [tilespmem:$0x4C0]  }
0x103: {  	v2 =	vadd.f32 v4, v2;
	v4 =	vadd.f32 v20, v9;
	v20 =	vld [tilespmem:$0x540]  }
0x104: {  	v51 =	vadd.f32 v51, v11;
	v11 =	vld [tilespmem:$0x5C0]  }
0x105: {  	v5 =	vadd.f32 $0.0e+00, v5;
	v9 =	vld [tilespmem:$0x640]  }
0x106: {  	[tilespmem:$0x1FFB0] =	vst v1;
	v1 =	vld [tilespmem:$0x800]  }
0x107: {  	v5 =	vadd.f32 v10, v5;
	v2 =	vadd.f32 v6, v2;
	v6 =	vld [tilespmem:$0x740]  }
0x108: {  	v3 =	vadd.f32 v36, v3;
	v4 =	vadd.f32 v21, v4;
	v36 =	vld [tilespmem:$0x7D0]  }
0x109: {  	v5 =	vadd.f32 v16, v5;
	v2 =	vadd.f32 v7, v2;
	v7 =	vld [tilespmem:$0x6C0]  }
0x10a: {  	v51 =	vadd.f32 v52, v51;
	v21 =	vadd.f32 v22, v4;
	v4 =	vld [tilespmem:$0x7C0]  }
0x10b: {  	v5 =	vadd.f32 v18, v5;
	v3 =	vadd.f32 v37, v3;
	v37 =	vld [tilespmem:$0x8D0]  }
0x10c: {  	v52 =	vadd.f32 v53, v51;
	v51 =	vld [tilespmem:$0x1E0]  }
0x10d: {  	v5 =	vadd.f32 v31, v5;
	v31 =	vld [tilespmem:$0x3F0]  }
0x10e: {  	[tilespmem:$0x1FFC0] =	vst v1;
	v1 =	vld [tilespmem:$0x880]  }
0x10f: {  	v53 =	vadd.f32 v38, v3;
	v3 =	vld [tilespmem:$0x840]  }
0x110: {  	v22 =	vadd.f32 v54, v52;
	v52 =	vld [tilespmem:$0x1F0]  }
0x111: {  	v2 =	vadd.f32 v12, v2;
	v54 =	vld [tilespmem:$0x260]  }
0x112: {  	v38 =	vld [tilespmem:$0x460]  }
0x113: {  	v21 =	vadd.f32 v23, v21;
	v13 =	vadd.f32 v13, v2;
	v2 =	vld [tilespmem:$0x8C0]  }
0x114: {  	v5 =	vadd.f32 v34, v5;
	v22 =	vadd.f32 v55, v22;
	v55 =	vld [tilespmem:$0x150]  }
0x115: {  	v21 =	vadd.f32 v24, v21;
	v24 =	vld [tilespmem:$0x250]  }
0x116: {  	v5 =	vadd.f32 v50, v5;
	v50 =	vld [tilespmem:$0x6F0]  }
0x117: {  	v12 =	vadd.f32 v39, v53;
	v13 =	vadd.f32 v14, v13;
	v14 =	vld [tilespmem:$0x1D0]  }
0x118: {  	v21 =	vadd.f32 v25, v21;
	v25 =	vld [tilespmem:$0x350]  }
0x119: {  	v12 =	vadd.f32 v40, v12;
	v22 =	vadd.f32 v56, v22;
	v56 =	vld [tilespmem:$0x270]  }
0x11a: {  	[tilespmem:$0x1FFE0] =	vst v1;
	v1 =	vld [tilespmem:$0x810]  }
0x11b: {  	v40 =	vld [tilespmem:$0x4E0];
	v12 =	vadd.f32 v41, v12;
	v22 =	vadd.f32 v57, v22  }
0x11c: {  	v13 =	vadd.f32 v15, v13;
	v15 =	vld [tilespmem:$0x2D0];
	v21 =	vadd.f32 v26, v21  }
0x11d: {  	v26 =	vld [tilespmem:$0x450];
	v12 =	vadd.f32 v42, v12;
	v22 =	vadd.f32 v58, v22  }
0x11e: {  	v5 =	vadd.f32 v35, v5;
	v41 =	vld [tilespmem:$0x1FFA0]  }
0x11f: {  	[tilespmem:$0x1FFD0] =	vst v1;
	v1 =	vld [tilespmem:$0x890];
	v12 =	vadd.f32 v43, v12;
	v22 =	vadd.f32 v59, v22  }
0x120: {  	v57 =	vld [tilespmem:$0x2E0];
	v5 =	vadd.f32 v20, v5;
	v13 =	vadd.f32 v17, v13  }
0x121: {  	v17 =	vld [tilespmem:$0x3D0];
	v12 =	vadd.f32 v44, v12;
	v22 =	vadd.f32 v60, v22  }
0x122: {  	v53 =	vadd.f32 $0.0e+00, v55;
	v21 =	vadd.f32 v27, v21;
	v27 =	vld [tilespmem:$0x550]  }
0x123: {  	v42 =	vld [tilespmem:$0x1FFB0];
	v12 =	vadd.f32 v45, v12;
	v22 =	vadd.f32 v61, v22  }
0x124: {  	v5 =	vadd.f32 v11, v5;
	v13 =	vadd.f32 v19, v13;
	[tilespmem:$0x1FFF0] =	vst v1;
	v1 =	vld [tilespmem:$0x830]  }
0x125: {  	v58 =	vld [tilespmem:$0x2F0];
	v12 =	vadd.f32 v46, v12;
	v22 =	vadd.f32 v62, v22  }
0x126: {  	v21 =	vadd.f32 v28, v21;
	v5 =	vadd.f32 v9, v5;
	v45 =	vld [tilespmem:$0x160]  }
0x127: {  	v12 =	vadd.f32 v47, v12;
	v22 =	vadd.f32 v63, v22;
	v47 =	vld [tilespmem:$0x170]  }
0x128: {  	v19 =	vld [tilespmem:$0x4D0];
	v13 =	vadd.f32 v33, v13;
	v21 =	vadd.f32 v29, v21  }
0x129: {  	v28 =	vld [tilespmem:$0x5D0];
	v5 =	vadd.f32 v7, v5;
	v1 =	vadd.f32 v1, v22  }
0x12a: {  	v43 =	vld [tilespmem:$0x1FFC0];
	v13 =	vadd.f32 v41, v13;
	v21 =	vadd.f32 v30, v21  }
0x12b: {  	v29 =	vld [tilespmem:$0x650];
	v55 =	vadd.f32 $0.0e+00, v45;
	v1 =	vadd.f32 v8, v1  }
0x12c: {  	v33 =	vld [tilespmem:$0x6D0];
	v8 =	vadd.f32 v14, v53;
	v39 =	vadd.f32 $0.0e+00, v47  }
0x12d: {  	v44 =	vld [tilespmem:$0x1FFD0];
	v5 =	vadd.f32 v6, v5;
	v10 =	vadd.f32 v51, v55  }
0x12e: {  	v60 =	vld [tilespmem:$0x360];
	v8 =	vadd.f32 v24, v8;
	v59 =	vadd.f32 v52, v39  }
0x12f: {  	v61 =	vld [tilespmem:$0x370];
	v13 =	vadd.f32 v42, v13;
	v10 =	vadd.f32 v54, v10  }
0x130: {  	v63 =	vld [tilespmem:$0x3E0];
	v8 =	vadd.f32 v15, v8;
	v62 =	vadd.f32 v56, v59  }
0x131: {  	v30 =	vld [tilespmem:$0x750];
	v21 =	vadd.f32 v32, v21;
	v10 =	vadd.f32 v57, v10  }
0x132: {  	v41 =	vld [tilespmem:$0x4F0];
	v8 =	vadd.f32 v25, v8;
	v15 =	vadd.f32 v58, v62  }
0x133: {  	v13 =	vadd.f32 v43, v13;
	v39 =	vld [tilespmem:$0x470];
	v10 =	vadd.f32 v60, v10  }
0x134: {  	v46 =	vld [tilespmem:$0x1FFE0];
	v8 =	vadd.f32 v17, v8;
	v15 =	vadd.f32 v61, v15  }
0x135: {  	v42 =	vld [tilespmem:$0x560];
	v12 =	vadd.f32 v48, v12;
	v10 =	vadd.f32 v63, v10  }
0x136: {  	v48 =	vld [tilespmem:$0x1FFF0];
	v8 =	vadd.f32 v26, v8;
	v14 =	vadd.f32 v31, v15  }
0x137: {  	v21 =	vadd.f32 v44, v21;
	v43 =	vld [tilespmem:$0x570];
	v10 =	vadd.f32 v38, v10  }
0x138: {  	v44 =	vld [tilespmem:$0x5E0];
	v8 =	vadd.f32 v19, v8;
	v14 =	vadd.f32 v39, v14  }
0x139: {  	v45 =	vld [tilespmem:$0x5F0];
	v13 =	vadd.f32 v46, v13;
	v10 =	vadd.f32 v40, v10  }
0x13a: {  	v46 =	vld [tilespmem:$0x660];
	v8 =	vadd.f32 v27, v8;
	v14 =	vadd.f32 v41, v14  }
0x13b: {  	v47 =	vld [tilespmem:$0x670];
	v21 =	vadd.f32 v48, v21;
	v10 =	vadd.f32 v42, v10  }
0x13c: {  	v48 =	vld [tilespmem:$0x6E0];
	v8 =	vadd.f32 v28, v8;
	v14 =	vadd.f32 v43, v14  }
0x13d: {  	v32 =	vld [tilespmem:$0x850];
	v12 =	vadd.f32 v49, v12;
	v49 =	vadd.f32 v44, v10  }
0x13e: {  	v51 =	vld [tilespmem:$0x760];
	v8 =	vadd.f32 v29, v8;
	v14 =	vadd.f32 v45, v14  }
0x13f: {  	v4 =	vadd.f32 v4, v5;
	v53 =	vld [tilespmem:$0x770];
	v52 =	vadd.f32 v46, v49  }
0x140: {  	v54 =	vld [tilespmem:$0x7E0];
	v8 =	vadd.f32 v33, v8;
	v11 =	vadd.f32 v47, v14  }
0x141: {  	v3 =	vadd.f32 v3, v4;
	v56 =	vld [tilespmem:$0x7F0];
	v55 =	vadd.f32 v48, v52  }
0x142: {  	v57 =	vld [tilespmem:$0x860];
	v8 =	vadd.f32 v30, v8;
	v10 =	vadd.f32 v50, v11  }
0x143: {  	v2 =	vadd.f32 v2, v3;
	v59 =	vld [tilespmem:$0x870];
	v58 =	vadd.f32 v51, v55  }
0x144: {  	v60 =	vld [tilespmem:$0x8E0];
	v8 =	vadd.f32 v36, v8;
	v9 =	vadd.f32 v53, v10  }
0x145: {  	[tilespmem:$0x940] =	vst v2;
	v62 =	vld [tilespmem:$0x8F0];
	v61 =	vadd.f32 v54, v58  }
0x146: {  	[tilespmem:$0x900] =	vst v13;
	v8 =	vadd.f32 v32, v8;
	v7 =	vadd.f32 v56, v9  }
0x147: {  	[tilespmem:$0x920] =	vst v12;
	v3 =	vadd.f32 v57, v61  }
0x148: {  	[tilespmem:$0x930] =	vst v1;
	v1 =	vadd.f32 v37, v8;
	v63 =	vadd.f32 v59, v7  }
0x149: {  	[tilespmem:$0x910] =	vst v21;
	v2 =	vadd.f32 v60, v3  }
0x14a: {  	[tilespmem:$0x950] =	vst v1;
	v1 =	vadd.f32 v62, v63  }
0x14b: {  	s30 =	sshll.u32 s1, $0x7;
	[tilespmem:$0x960] =	vst v2  }
0x14c: {  	s31 =	simm.s32 $0x900;
	s6 =	sadd.s32 s30, s4;
	[tilespmem:$0x970] =	vst v1  }
0x14d: {  	[spmem:s6] =	stream.linear.scatter [tilespmem:s31], [sflag:$0x2], $0x80, $0x38;
	[tilespmem:$0x2E80] =	vst v63  }
.Ltmp0:
0x14e: {  	_ =	swait.ge [sflag:s5], $0x80;
	(pc) =	sbr.rel @p0 .LBB2_4-.Ltmp0, $3  }
0x14f: {  	[sflag:s5] =	ssyncset.done $0x0  }
0x150: {  	[sflag:s5] =	ssyncadd.s32 $0xFFFFFF80  }
0x151: {  	[bflag:$0x0] =	sbarrier.arrive $0xFFFF;
	_ =	sdelay $0x1  }
0x152: {  	s6 =	simm.s32 $0x1  }
0x153: {  	_ =	swait.ge [sflag:s6], $0x1B80  }
0x154: {  	[sflag:s6] =	ssyncset.done $0x0  }
0x155: {  	s29 =	simm.s32 $0x2500;
	[sflag:s6] =	ssyncadd.s32 $0xFFFFE480  }
0x156: {  	[tilespmem:s29], [sflag:$0x2] =	stream.linear.gather [spmem:s4], $0x800, $0x38;
	[tilespmem:$0x2E80] =	vst v63  }
0x157: {  	_ =	swait.ge [sflag:s5], $0x800  }
0x158: {  	[sflag:s5] =	ssyncset.done $0x0  }
0x159: {  	[sflag:s5] =	ssyncadd.s32 $0xFFFFF800  }
0x15a: {  	v1 =	vld [tilespmem:$0x2500]  }
0x15b: {  	v2 =	vld [tilespmem:$0x2580]  }
0x15c: {  	v3 =	vld [tilespmem:$0x2600]  }
0x15d: {  	v4 =	vld [tilespmem:$0x2680]  }
0x15e: {  	v6 =	vld [tilespmem:$0x2700]  }
0x15f: {  	v8 =	vld [tilespmem:$0x2780]  }
0x160: {  	v9 =	vld [tilespmem:$0x2800]  }
0x161: {  	v10 =	vld [tilespmem:$0x2880]  }
0x162: {  	v11 =	vld [tilespmem:$0x2900]  }
0x163: {  	v14 =	vld [tilespmem:$0x2980]  }
0x164: {  	v16 =	vld [tilespmem:$0x2A00]  }
0x165: {  	v30 =	vld [tilespmem:$0x2A80]  }
0x166: {  	v32 =	vld [tilespmem:$0x2B00]  }
0x167: {  	v5 =	vld [tilespmem:$0x2B80]  }
0x168: {  	v17 =	vld [tilespmem:$0x2510]  }
0x169: {  	v18 =	vld [tilespmem:$0x2590]  }
0x16a: {  	v19 =	vld [tilespmem:$0x2610]  }
0x16b: {  	v20 =	vld [tilespmem:$0x2690]  }
0x16c: {  	v21 =	vld [tilespmem:$0x2710]  }
0x16d: {  	v22 =	vld [tilespmem:$0x2790]  }
0x16e: {  	v23 =	vld [tilespmem:$0x2810]  }
0x16f: {  	v24 =	vld [tilespmem:$0x2890]  }
0x170: {  	v25 =	vld [tilespmem:$0x2910]  }
0x171: {  	v26 =	vld [tilespmem:$0x2990]  }
0x172: {  	v27 =	vld [tilespmem:$0x2A10]  }
0x173: {  	v28 =	vld [tilespmem:$0x2A90]  }
0x174: {  	v29 =	vld [tilespmem:$0x2B10]  }
0x175: {  	v31 =	vld [tilespmem:$0x2B90]  }
0x176: {  	v33 =	vld [tilespmem:$0x2520]  }
0x177: {  	v34 =	vld [tilespmem:$0x25A0]  }
0x178: {  	v35 =	vld [tilespmem:$0x2620]  }
0x179: {  	v36 =	vld [tilespmem:$0x26A0]  }
0x17a: {  	v37 =	vld [tilespmem:$0x2720]  }
0x17b: {  	v38 =	vld [tilespmem:$0x27A0]  }
0x17c: {  	v39 =	vld [tilespmem:$0x2820]  }
0x17d: {  	v40 =	vld [tilespmem:$0x28A0]  }
0x17e: {  	v41 =	vld [tilespmem:$0x2920]  }
0x17f: {  	v42 =	vld [tilespmem:$0x29A0]  }
0x180: {  	v43 =	vld [tilespmem:$0x2A20]  }
0x181: {  	v44 =	vld [tilespmem:$0x2AA0]  }
0x182: {  	v45 =	vld [tilespmem:$0x2B20]  }
0x183: {  	v46 =	vld [tilespmem:$0x2BA0]  }
0x184: {  	v47 =	vld [tilespmem:$0x2C20]  }
0x185: {  	v48 =	vld [tilespmem:$0x2CA0]  }
0x186: {  	v49 =	vld [tilespmem:$0x2530]  }
0x187: {  	v50 =	vld [tilespmem:$0x25B0]  }
0x188: {  	v51 =	vld [tilespmem:$0x2630]  }
0x189: {  	v52 =	vld [tilespmem:$0x26B0]  }
0x18a: {  	v53 =	vld [tilespmem:$0x2730]  }
0x18b: {  	v54 =	vld [tilespmem:$0x27B0]  }
0x18c: {  	v55 =	vld [tilespmem:$0x2830]  }
0x18d: {  	v56 =	vld [tilespmem:$0x28B0]  }
0x18e: {  	v57 =	vld [tilespmem:$0x2930]  }
0x18f: {  	v58 =	vld [tilespmem:$0x29B0]  }
0x190: {  	v59 =	vld [tilespmem:$0x2A30]  }
0x191: {  	v60 =	vld [tilespmem:$0x2AB0]  }
0x192: {  	v61 =	vld [tilespmem:$0x2B30]  }
0x193: {  	v62 =	vld [tilespmem:$0x2BB0]  }
0x194: {  	v63 =	vld [tilespmem:$0x2C30]  }
0x195: {  	v13 =	vld [tilespmem:$0x2CB0]  }
0x196: {  	v7 =	vld [tilespmem:$0x25C0]  }
0x197: {  	v12 =	vld [tilespmem:$0x2640]  }
0x198: {  	v15 =	vld [tilespmem:$0x2740];
	v1 =	vadd.f32 $0.0e+00, v1  }
0x199: {  	[tilespmem:$0x1FF50] =	vst v5;
	v5 =	vld [tilespmem:$0x2C00];
	v17 =	vadd.f32 $0.0e+00, v17  }
0x19a: {  	v1 =	vadd.f32 v2, v1;
	v2 =	vld [tilespmem:$0x26C0]  }
0x19b: {  	v17 =	vadd.f32 v18, v17;
	v18 =	vadd.f32 $0.0e+00, v49;
	v49 =	vld [tilespmem:$0x2840]  }
0x19c: {  	v1 =	vadd.f32 v3, v1;
	v3 =	vadd.f32 $0.0e+00, v33;
	v33 =	vld [tilespmem:$0x27C0]  }
0x19d: {  	v50 =	vadd.f32 v50, v18;
	v18 =	vld [tilespmem:$0x2940]  }
0x19e: {  	[tilespmem:$0x1FF60] =	vst v5;
	v5 =	vld [tilespmem:$0x2C80]  }
0x19f: {  	v3 =	vadd.f32 v34, v3;
	v34 =	vld [tilespmem:$0x28C0]  }
0x1a0: {  	v1 =	vadd.f32 v4, v1;
	v4 =	vadd.f32 v19, v17;
	v19 =	vld [tilespmem:$0x29C0]  }
0x1a1: {  	v17 =	vld [tilespmem:$0x2A40]  }
0x1a2: {  	v1 =	vadd.f32 v6, v1;
	v6 =	vadd.f32 v51, v50;
	v50 =	vld [tilespmem:$0x1FF50]  }
0x1a3: {  	v51 =	vld [tilespmem:$0x1FF60]  }
0x1a4: {  	v3 =	vadd.f32 v35, v3;
	v35 =	vld [tilespmem:$0x2BD0]  }
0x1a5: {  	[tilespmem:$0x1FF70] =	vst v5;
	v5 =	vld [tilespmem:$0x2C10]  }
0x1a6: {  	v4 =	vadd.f32 v20, v4;
	v1 =	vadd.f32 v8, v1;
	v8 =	vld [tilespmem:$0x2AC0]  }
0x1a7: {  	v3 =	vadd.f32 v36, v3;
	v36 =	vadd.f32 v52, v6;
	v6 =	vld [tilespmem:$0x2B40]  }
0x1a8: {  	v20 =	vadd.f32 v21, v4;
	v4 =	vld [tilespmem:$0x2BC0]  }
0x1a9: {  	v52 =	vld [tilespmem:$0x1FF70]  }
0x1aa: {  	v37 =	vadd.f32 v37, v3;
	v3 =	vld [tilespmem:$0x2C40]  }
0x1ab: {  	v1 =	vadd.f32 v9, v1;
	v20 =	vadd.f32 v22, v20;
	v9 =	vld [tilespmem:$0x2CC0]  }
0x1ac: {  	v21 =	vadd.f32 v53, v36;
	v22 =	vld [tilespmem:$0x2550]  }
0x1ad: {  	v1 =	vadd.f32 v10, v1;
	v20 =	vadd.f32 v23, v20;
	v23 =	vld [tilespmem:$0x2650]  }
0x1ae: {  	v38 =	vadd.f32 v38, v37;
	v21 =	vadd.f32 v54, v21;
	v54 =	vld [tilespmem:$0x2560]  }
0x1af: {  	[tilespmem:$0x1FF80] =	vst v5;
	v5 =	vld [tilespmem:$0x2C90]  }
0x1b0: {  	v1 =	vadd.f32 v11, v1;
	v10 =	vadd.f32 v39, v38;
	v11 =	vld [tilespmem:$0x25D0]  }
0x1b1: {  	v20 =	vadd.f32 v24, v20;
	v21 =	vadd.f32 v55, v21;
	v24 =	vld [tilespmem:$0x2750]  }
0x1b2: {  	v53 =	vld [tilespmem:$0x1FF80];
	v1 =	vadd.f32 v14, v1;
	v10 =	vadd.f32 v40, v10  }
0x1b3: {  	v55 =	vld [tilespmem:$0x2570];
	v20 =	vadd.f32 v25, v20;
	v21 =	vadd.f32 v56, v21  }
0x1b4: {  	v14 =	vld [tilespmem:$0x26D0];
	v1 =	vadd.f32 v16, v1;
	v10 =	vadd.f32 v41, v10  }
0x1b5: {  	v25 =	vld [tilespmem:$0x2850];
	v20 =	vadd.f32 v26, v20;
	v21 =	vadd.f32 v57, v21  }
0x1b6: {  	[tilespmem:$0x1FF90] =	vst v5;
	v5 =	vld [tilespmem:$0x2540];
	v1 =	vadd.f32 v30, v1;
	v10 =	vadd.f32 v42, v10  }
0x1b7: {  	v16 =	vld [tilespmem:$0x27D0];
	v20 =	vadd.f32 v27, v20;
	v21 =	vadd.f32 v58, v21  }
0x1b8: {  	v26 =	vld [tilespmem:$0x28D0];
	v1 =	vadd.f32 v32, v1;
	v10 =	vadd.f32 v43, v10  }
0x1b9: {  	v57 =	vld [tilespmem:$0x25E0];
	v58 =	vadd.f32 $0.0e+00, v22;
	v20 =	vadd.f32 v28, v20  }
0x1ba: {  	v41 =	vld [tilespmem:$0x26F0];
	v1 =	vadd.f32 v50, v1;
	v10 =	vadd.f32 v44, v10  }
0x1bb: {  	v56 =	vld [tilespmem:$0x1FF90];
	v21 =	vadd.f32 v59, v21;
	v11 =	vadd.f32 v11, v58  }
0x1bc: {  	v27 =	vld [tilespmem:$0x2950];
	v1 =	vadd.f32 v51, v1;
	v10 =	vadd.f32 v45, v10  }
0x1bd: {  	v30 =	vld [tilespmem:$0x29D0];
	v5 =	vadd.f32 $0.0e+00, v5;
	v20 =	vadd.f32 v29, v20  }
0x1be: {  	v42 =	vld [tilespmem:$0x2760];
	v36 =	vadd.f32 v52, v1;
	v1 =	vadd.f32 v46, v10  }
0x1bf: {  	v28 =	vld [tilespmem:$0x2A50];
	v21 =	vadd.f32 v60, v21;
	v60 =	vadd.f32 $0.0e+00, v54  }
0x1c0: {  	v32 =	vld [tilespmem:$0x2AD0];
	v11 =	vadd.f32 v23, v11;
	v1 =	vadd.f32 v47, v1  }
0x1c1: {  	v59 =	vld [tilespmem:$0x2660];
	v20 =	vadd.f32 v31, v20;
	v21 =	vadd.f32 v61, v21  }
0x1c2: {  	v40 =	vadd.f32 v48, v1;
	v1 =	vadd.f32 v7, v5;
	v5 =	vld [tilespmem:$0x25F0]  }
0x1c3: {  	v43 =	vld [tilespmem:$0x2770];
	v11 =	vadd.f32 v14, v11;
	v21 =	vadd.f32 v62, v21  }
0x1c4: {  	v61 =	vld [tilespmem:$0x2670];
	v20 =	vadd.f32 v53, v20;
	v1 =	vadd.f32 v12, v1  }
0x1c5: {  	v62 =	vld [tilespmem:$0x26E0];
	v21 =	vadd.f32 v63, v21;
	v63 =	vadd.f32 $0.0e+00, v55  }
0x1c6: {  	v58 =	vld [tilespmem:$0x2BE0];
	v1 =	vadd.f32 v2, v1;
	v2 =	vadd.f32 v57, v60  }
0x1c7: {  	v29 =	vld [tilespmem:$0x2B50];
	v11 =	vadd.f32 v24, v11;
	v5 =	vadd.f32 v5, v63  }
0x1c8: {  	v44 =	vld [tilespmem:$0x27E0];
	v1 =	vadd.f32 v15, v1;
	v2 =	vadd.f32 v59, v2  }
0x1c9: {  	v50 =	vld [tilespmem:$0x2960];
	v20 =	vadd.f32 v56, v20;
	v5 =	vadd.f32 v61, v5  }
0x1ca: {  	v45 =	vld [tilespmem:$0x27F0];
	v1 =	vadd.f32 v33, v1;
	v2 =	vadd.f32 v62, v2  }
0x1cb: {  	v46 =	vld [tilespmem:$0x2860];
	v11 =	vadd.f32 v16, v11;
	v5 =	vadd.f32 v41, v5  }
0x1cc: {  	v47 =	vld [tilespmem:$0x2870];
	v1 =	vadd.f32 v49, v1;
	v2 =	vadd.f32 v42, v2  }
0x1cd: {  	v7 =	vadd.f32 v13, v21;
	v48 =	vld [tilespmem:$0x28E0];
	v5 =	vadd.f32 v43, v5  }
0x1ce: {  	v49 =	vld [tilespmem:$0x28F0];
	v1 =	vadd.f32 v34, v1;
	v2 =	vadd.f32 v44, v2  }
0x1cf: {  	v54 =	vld [tilespmem:$0x2A60];
	v11 =	vadd.f32 v25, v11;
	v5 =	vadd.f32 v45, v5  }
0x1d0: {  	v51 =	vld [tilespmem:$0x2970];
	v1 =	vadd.f32 v18, v1;
	v2 =	vadd.f32 v46, v2  }
0x1d1: {  	v52 =	vld [tilespmem:$0x29E0];
	v11 =	vadd.f32 v26, v11;
	v5 =	vadd.f32 v47, v5  }
0x1d2: {  	v53 =	vld [tilespmem:$0x29F0];
	v1 =	vadd.f32 v19, v1;
	v2 =	vadd.f32 v48, v2  }
0x1d3: {  	v31 =	vld [tilespmem:$0x2C50];
	v11 =	vadd.f32 v27, v11;
	v5 =	vadd.f32 v49, v5  }
0x1d4: {  	v55 =	vld [tilespmem:$0x2A70];
	v1 =	vadd.f32 v17, v1;
	v2 =	vadd.f32 v50, v2  }
0x1d5: {  	v56 =	vld [tilespmem:$0x2AE0];
	v11 =	vadd.f32 v30, v11;
	v5 =	vadd.f32 v51, v5  }
0x1d6: {  	v1 =	vadd.f32 v8, v1;
	v2 =	vadd.f32 v52, v2;
	v8 =	vld [tilespmem:$0x2AF0]  }
0x1d7: {  	v57 =	vld [tilespmem:$0x2B60];
	v11 =	vadd.f32 v28, v11;
	v5 =	vadd.f32 v53, v5  }
0x1d8: {  	v1 =	vadd.f32 v6, v1;
	v2 =	vadd.f32 v54, v2;
	v6 =	vld [tilespmem:$0x2B70]  }
0x1d9: {  	v10 =	vld [tilespmem:$0x2CD0];
	v11 =	vadd.f32 v32, v11;
	v5 =	vadd.f32 v55, v5  }
0x1da: {  	v59 =	vld [tilespmem:$0x2BF0];
	v4 =	vadd.f32 v4, v1;
	v2 =	vadd.f32 v56, v2;
	v1 =	vlaneseq.u32  }
0x1db: {  	s30 =	sshll.u32 s1, $0x4;
	v11 =	vadd.f32 v29, v11;
	v60 =	vadd.s32 $0x1, v1;
	v5 =	vadd.f32 v8, v5;
	v8 =	vld [tilespmem:$0x2C60]  }
0x1dc: {  	v61 =	vld [tilespmem:$0x2C70];
	v1 =	vor.u32 s30, v1;
	v14 =	vadd.s32 s30, v60;
	v2 =	vadd.f32 v57, v2  }
0x1dd: {  	v11 =	vadd.f32 v35, v11;
	v14 =	vmul.u32 v14, v1;
	v5 =	vadd.f32 v6, v5;
	v6 =	vld [tilespmem:$0x2CE0]  }
0x1de: {  	[tilespmem:$0x2D00] =	vst v36;
	v3 =	vadd.f32 v3, v4;
	v4 =	vld [tilespmem:$0x2CF0];
	v2 =	vadd.f32 v58, v2  }
0x1df: {  	[tilespmem:$0x2D10] =	vst v20;
	v11 =	vadd.f32 v31, v11;
	v5 =	vadd.f32 v59, v5;
	v62 =	vshrl.u32 v14, $0x1  }
0x1e0: {  	[tilespmem:$0x2D20] =	vst v40;
	v3 =	vadd.f32 v9, v3;
	v8 =	vadd.f32 v8, v2;
	v2 =	vmin.u32 v62, $0x1AF7  }
0x1e1: {  	[tilespmem:$0x2D30] =	vst v7;
	v7 =	vadd.f32 v10, v11;
	v5 =	vadd.f32 v61, v5;
	v63 =	vadd.s32 s3, v2  }
0x1e2: {  	[tilespmem:$0x2D40] =	vst v3;
	v3 =	vadd.f32 v6, v8;
	v8 =	vmov s3  }
0x1e3: {  	[tilespmem:$0x2D50] =	vst v7;
	v4 =	vadd.f32 v4, v5  }
0x1e4: {  	[tilespmem:$0x2D60] =	vst v3  }
0x1e5: {  	s31 =	simm.s32 $0x1;
	s4 =	simm.s32 $0x980;
	[tilespmem:$0x2D70] =	vst v4  }
0x1e6: {  	v7 =	vadd.s32 s31, v2;
	s3 =	simm.s32 $0x2D00;
	v6 =	vld.idx.msk [tilespmem:v63+s4+$0x0], $0xffff  }
0x1e7: {  	v5 =	vmov s31;
	v3 =	vld.idx.msk [tilespmem:v8+s3+$0x0], $0xffff;
	_ =	sdelay $0x2  }
0x1e8: {  	s2 =	sadd.s32 s30, s2  }
0x1e9: {  	s2 =	sadd.s32 $0xA00, s2;
	s5 =	simm.s32 $0x2;
	v4 =	vld.idx.msk [tilespmem:v7+s4+$0x0], $0xffff  }
.LBB2_2:
0x1ea: {  	v7 =	vadd.s32 s5, v2;
	v6 =	vmul.f32 v3, v6;
	v3 =	vld.idx.msk [tilespmem:v5+s3+$0x0], $0xffff;
	p0 =	sne.s32 s5, $0x75  }
.Ltmp1:
0x1eb: {  	v5 =	vmov s5;
	s5 =	sadd.s32 $0x1, s5;
	(pc) =	sbr.rel @p0 .LBB2_2-.Ltmp1, $2  }
0x1ec: {  	v0 =	vadd.f32 v6, v0;
	_ =	sdelay $0x2  }
0x1ed: {  	v6 =	vmov v4;
	v4 =	vld.idx.msk [tilespmem:v7+s4+$0x0], $0xffff  }
0x1ee: {  	_ =	sdelay $0x3  }
0x1ef: {  	v2 =	vld.idx.msk [tilespmem:v5+s3+$0x0], $0xffff;
	_ =	sdelay $0x2  }
0x1f0: {  	v3 =	vmul.f32 v3, v6;
	s29 =	simm.s32 $0x2D00  }
0x1f1: {  	v1 =	vld.idx.msk [tilespmem:v1+s29+$0x0], $0xffff  }
0x1f2: {  	v0 =	vadd.f32 v3, v0;
	v2 =	vmul.f32 v2, v4;
	_ =	sdelay $0x1  }
0x1f3: {  	v0 =	vadd.f32 v2, v0;
	_ =	sdelay $0x1  }
0x1f4: {  	v0 =	vmul.f32 v1, v0;
	_ =	sdelay $0x1  }
0x1f5: {  	s30 =	simm.s32 $0x0;
	s4 =	simm.s32 $0x2D80;
	s31 =	simm.s32 $0x2;
	[tilespmem:$0x2D80] =	vst v0  }
0x1f6: {  	[hbm4b:s2+s30] =	stream.linear.scatter [tilespmem:s4], [sflag:$0x2], $0x80, $0x38;
	[tilespmem:$0x2E80] =	vst v63  }
0x1f7: {  	_ =	swait.ge [sflag:s31], $0x80  }
0x1f8: {  	[sflag:s31] =	ssyncset.done $0x0  }
0x1f9: {  	[sflag:s31] =	ssyncadd.s32 $0xFFFFFF80  }
.LBB2_4:
0x1fa: {  	_ =	sfence.sel $0x180000  }
0x1fb: {  	[bflag:$0x0] =	sbarrier.arrive $0xFFFF  }
0x1fc: {  	p0 =	sne.s32 s1, $0x0;
	_ =	strace $0x90000047  }
0x1fd: {  	s0 =	sadd.s32 @!p0 $0x100000, s0;
	[bflag:$0x2] =	sbarrier.arrive $0xFFFF  }
0x1fe: {  	[sflag:s0] =	ssyncadd.tile.s32 @!p0 $0x1;
	_ =	shalt  }
.Lfunc_end2:
_tile_overlayer_lowered:
.L_overlay_start_2:
0x1ff: {  	(tag) =	ssettag $0x2  }
0x200: {  	s0 =	rddreg [dreg:$0x0];
	s2 =	stileid.u32  }
0x201: {  	s1 =	rddreg [dreg:$0x1];
	p0 =	sne.s32 s2, $0x0  }
0x202: {  	s3 =	rddreg [dreg:$0x2];
	[bflag:$0x3] =	sbarrier.arrive $0xFFFF;
	s2 =	simm.s32 @!p0 $0x1C02  }
0x203: {  	[timem:s3], [sflag:s2] =	dma.local @!p0 [hbm:s0], s1  }
0x204: {  	s0 =	simm.s32 @!p0 $0x2  }
0x205: {  	_ =	swait.ge @!p0 [sflag:s0], s1  }
0x206: {  	s1 =	ssub.s32 @!p0 $0x0, s1;
	[sflag:s0] =	ssyncset.done @!p0 $0x0  }
0x207: {  	[sflag:s0] =	ssyncadd.s32 @!p0 s1  }
0x208: {  	[bflag:$0x3] =	sbarrier.arrive $0xFFFF  }
0x209: {  	_ =	shalt  }

</sc_bundles>
